<compile_context>
chip_gen: v7x
topology: tpu7x:2x2x1
jax: 0.10.2.dev20260603
libtpu: 0.0.44.dev20260713+nightly
codegen_flags: <defaults>
</compile_context>

<pallas_src>
import jax
import jax.numpy as jnp
from jax import lax
from jax.experimental import pallas as pl
from jax.experimental.pallas import tpu as pltpu
from jax.experimental.pallas import tpu_sc as plsc

DIM = 128
NFLOW = 6
NTRUST = 6
NTAB = NFLOW * NTRUST
NW = 32
CHUNK = 80
NSLOT = 4
REP = 32
TC_ROWS = 143360
TC_BLOCK = 2048


def _fuse_tables_body(flow_ref, trust_ref, out_ref):
    nrow = REP * NTAB
    rows = lax.broadcasted_iota(jnp.int32, (nrow, NFLOW), 0) % NTAB
    cols = lax.broadcasted_iota(jnp.int32, (nrow, NFLOW), 1)
    pick_flow = (rows // NTRUST == cols).astype(jnp.float32)
    pick_trust = (rows % NTRUST == cols).astype(jnp.float32)
    left = jnp.dot(pick_flow, flow_ref[...], preferred_element_type=jnp.float32)
    right = jnp.dot(pick_trust, trust_ref[...], preferred_element_type=jnp.float32)
    out_ref[...] = jnp.concatenate([left, right], axis=1)


def _fuse_tables(flow_table, trust_table):
    return pl.pallas_call(
        _fuse_tables_body,
        out_shape=jax.ShapeDtypeStruct((REP * NTAB, 2 * DIM), jnp.float32),
    )(flow_table, trust_table)


def _tc_expand_body(f_ref, t_ref, flow_ref, trust_ref, out_ref):
    f = f_ref[...]
    t = t_ref[...]
    k = lax.broadcasted_iota(jnp.int32, (TC_BLOCK, NFLOW), 1)
    onehot_f = (f[:, None] == k).astype(jnp.float32)
    onehot_t = (t[:, None] == k).astype(jnp.float32)
    left = jnp.dot(onehot_f, flow_ref[...], preferred_element_type=jnp.float32)
    right = jnp.dot(onehot_t, trust_ref[...], preferred_element_type=jnp.float32)
    out_ref[...] = jnp.concatenate([left, right], axis=1)


def _tc_expand(f_idx, t_idx, flow_table, trust_table, total_n):
    grid = (TC_ROWS // TC_BLOCK,)
    return pl.pallas_call(
        _tc_expand_body,
        grid=grid,
        in_specs=[
            pl.BlockSpec((TC_BLOCK,), lambda i: (i,)),
            pl.BlockSpec((TC_BLOCK,), lambda i: (i,)),
            pl.BlockSpec((NFLOW, DIM), lambda i: (0, 0)),
            pl.BlockSpec((NTRUST, DIM), lambda i: (0, 0)),
        ],
        out_specs=pl.BlockSpec((TC_BLOCK, 2 * DIM), lambda i: (i, 0)),
        out_shape=jax.ShapeDtypeStruct((total_n, 2 * DIM), jnp.float32),
    )(f_idx, t_idx, flow_table, trust_table)


def _sc_lookup_body(f_hbm, t_hbm, tab_hbm, out_hbm, *scratch):
    slots = tuple(scratch[i * 7:(i + 1) * 7] for i in range(NSLOT))
    n = out_hbm.shape[0] - TC_ROWS
    per = n // NW
    nchunk = per // CHUNK
    wid = lax.axis_index("s") * 2 + lax.axis_index("c")
    base = wid * per

    def off_of(g):
        return pl.multiple_of(TC_ROWS + base + g * CHUNK, CHUNK)

    def ioff_of(g):
        return pl.multiple_of(base + g * CHUNK, CHUNK)

    def start_idx(g, slot):
        f_v, t_v, _, _, isem, _, _ = slot
        off = ioff_of(g)
        pltpu.async_copy(f_hbm.at[pl.ds(off, CHUNK)], f_v, isem)
        pltpu.async_copy(t_hbm.at[pl.ds(off, CHUNK)], t_v, isem)

    def wait_idx(g, slot):
        f_v, t_v, _, _, isem, _, _ = slot
        off = ioff_of(g)
        pltpu.make_async_copy(f_hbm.at[pl.ds(off, CHUNK)], f_v, isem).wait()
        pltpu.make_async_copy(t_hbm.at[pl.ds(off, CHUNK)], t_v, isem).wait()

    def compute_c(slot):
        f_v, t_v, c_v = slot[0], slot[1], slot[2]
        rep_base = (wid % REP) * NTAB
        for j in range(CHUNK // 16):
            sl = pl.ds(j * 16, 16)
            c_v[sl] = f_v[sl] * NTRUST + t_v[sl] + rep_base

    def start_gather(slot):
        c_v, rows, gsem = slot[2], slot[3], slot[6]
        pltpu.async_copy(tab_hbm.at[c_v], rows, gsem)

    def wait_gather(slot):
        c_v, rows, gsem = slot[2], slot[3], slot[6]
        pltpu.make_async_copy(tab_hbm.at[c_v], rows, gsem).wait()

    def start_out(g, slot):
        rows, osem = slot[3], slot[5]
        pltpu.async_copy(rows, out_hbm.at[pl.ds(off_of(g), CHUNK)], osem)

    def wait_out(g, slot):
        rows, osem = slot[3], slot[5]
        pltpu.make_async_copy(rows, out_hbm.at[pl.ds(off_of(g), CHUNK)], osem).wait()

    for s in range(NSLOT):
        start_idx(s, slots[s])

    def body(i, _):
        for b in range(NSLOT):
            g = i * NSLOT + b
            slot = slots[b]
            wait_idx(g, slot)
            compute_c(slot)

            @pl.when(g >= NSLOT)
            def _():
                wait_out(g - NSLOT, slot)

            start_gather(slot)

            @pl.when(g + NSLOT < nchunk)
            def _():
                start_idx(g + NSLOT, slot)

            prev = slots[(b + 1) % NSLOT]

            @pl.when(g >= NSLOT - 1)
            def _():
                wait_gather(prev)
                start_out(g - (NSLOT - 1), prev)
        return 0

    lax.fori_loop(0, nchunk // NSLOT, body, 0)

    for g in range(nchunk - (NSLOT - 1), nchunk):
        slot = slots[g % NSLOT]
        wait_gather(slot)
        start_out(g, slot)
    for g in range(nchunk - NSLOT, nchunk):
        wait_out(g, slots[g % NSLOT])


def _sc_lookup(f_idx, t_idx, tab, buf_ref):
    slot_scratch = []
    for _ in range(NSLOT):
        slot_scratch += [
            pltpu.VMEM((CHUNK,), jnp.int32),
            pltpu.VMEM((CHUNK,), jnp.int32),
            pltpu.VMEM((CHUNK,), jnp.int32),
            pltpu.VMEM((CHUNK, 2 * DIM), jnp.float32),
            pltpu.SemaphoreType.DMA,
            pltpu.SemaphoreType.DMA,
            pltpu.SemaphoreType.DMA,
        ]
    run = pl.kernel(
        _sc_lookup_body,
        out_type=(),
        mesh=plsc.VectorSubcoreMesh(core_axis_name="c", subcore_axis_name="s"),
        scratch_types=slot_scratch,
    )
    run(f_idx, t_idx, tab, buf_ref)


def kernel(data_flows, trust_levels, flow_table, trust_table):
    b, e = data_flows.shape
    n = b * e
    f = data_flows.reshape(-1)
    t = trust_levels.reshape(-1)
    tab = _fuse_tables(flow_table, trust_table)
    buf = _tc_expand(f[:TC_ROWS], t[:TC_ROWS], flow_table, trust_table, n)
    buf_ref = jax.new_ref(buf)
    _sc_lookup(f[TC_ROWS:], t[TC_ROWS:], tab, buf_ref)
    return buf_ref[...].reshape(b, e, 2 * DIM)

# --- scband reference (transcript-rebuilt; emitter-appended) ---
"""Pipeline reference for scband-edge-encoder-2611340116278 (READ-ONLY COPY).

The authoritative reference and input builder live on the scoring server;
editing this copy changes nothing except your own understanding.
"""

import jax, jax.numpy as jnp
import numpy as np

DIM = 128
NUM_FLOW_TYPES = 6
NUM_TRUST_LEVELS = 6
B = 1024
E = 200


def setup_inputs(seed: int = 0) -> dict:
    key = jax.random.key(seed)
    k1, k2, k3, k4 = jax.random.split(key, 4)
    data_flows = jax.random.randint(k1, (B, E), 0, NUM_FLOW_TYPES, dtype=jnp.int64 if jax.config.jax_enable_x64 else jnp.int32).astype(jnp.int32)
    trust_levels = jax.random.randint(k2, (B, E), 0, NUM_TRUST_LEVELS, dtype=jnp.int32)
    flow_table = jax.random.normal(k3, (NUM_FLOW_TYPES, DIM), dtype=jnp.float32)
    trust_table = jax.random.normal(k4, (NUM_TRUST_LEVELS, DIM), dtype=jnp.float32)
    return {
        "data_flows": data_flows,
        "trust_levels": trust_levels,
        "flow_table": flow_table,
        "trust_table": trust_table,
    }


def reference(data_flows, trust_levels, flow_table, trust_table):
    # flow_emb = self.flow_embed(data_flows)
    flow_emb = jnp.take(flow_table, data_flows, axis=0)
    # trust_emb = self.trust_embed(trust_levels)
    trust_emb = jnp.take(trust_table, trust_levels, axis=0)
    # embeddings = torch.cat([flow_emb, trust_emb], dim=-1)
    embeddings = jnp.concatenate([flow_emb, trust_emb], axis=-1)
    return embeddings

if __name__ == "__main__":
    import jax
    _d = setup_inputs()
    print(jax.jit(kernel)(*tuple(_d.values())))

</pallas_src>

<mosaic_0001>
#map = affine_map<(d0, d1) -> (0)>
#map1 = affine_map<(d0, d1) -> (0, 0)>
module attributes {stable_mosaic.version = 14 : i64} {
  func.func @new_body(%arg0: i32, %arg1: i32, %arg2: memref<61440xi32, #tpu.memory_space<hbm>>, %arg3: memref<61440xi32, #tpu.memory_space<hbm>>, %arg4: memref<1152x256xf32, #tpu.memory_space<hbm>>, %arg5: memref<204800x256xf32, #tpu.memory_space<hbm>>, %arg6: memref<204800x256xf32, #tpu.memory_space<hbm>>, %arg7: memref<80xi32, #tpu.memory_space<vmem>>, %arg8: memref<80xi32, #tpu.memory_space<vmem>>, %arg9: memref<80xi32, #tpu.memory_space<vmem>>, %arg10: memref<80x256xf32, #tpu.memory_space<vmem>>, %arg11: memref<!tpu.dma_semaphore, #tpu.memory_space<semaphore_mem>>, %arg12: memref<!tpu.dma_semaphore, #tpu.memory_space<semaphore_mem>>, %arg13: memref<!tpu.dma_semaphore, #tpu.memory_space<semaphore_mem>>, %arg14: memref<80xi32, #tpu.memory_space<vmem>>, %arg15: memref<80xi32, #tpu.memory_space<vmem>>, %arg16: memref<80xi32, #tpu.memory_space<vmem>>, %arg17: memref<80x256xf32, #tpu.memory_space<vmem>>, %arg18: memref<!tpu.dma_semaphore, #tpu.memory_space<semaphore_mem>>, %arg19: memref<!tpu.dma_semaphore, #tpu.memory_space<semaphore_mem>>, %arg20: memref<!tpu.dma_semaphore, #tpu.memory_space<semaphore_mem>>, %arg21: memref<80xi32, #tpu.memory_space<vmem>>, %arg22: memref<80xi32, #tpu.memory_space<vmem>>, %arg23: memref<80xi32, #tpu.memory_space<vmem>>, %arg24: memref<80x256xf32, #tpu.memory_space<vmem>>, %arg25: memref<!tpu.dma_semaphore, #tpu.memory_space<semaphore_mem>>, %arg26: memref<!tpu.dma_semaphore, #tpu.memory_space<semaphore_mem>>, %arg27: memref<!tpu.dma_semaphore, #tpu.memory_space<semaphore_mem>>, %arg28: memref<80xi32, #tpu.memory_space<vmem>>, %arg29: memref<80xi32, #tpu.memory_space<vmem>>, %arg30: memref<80xi32, #tpu.memory_space<vmem>>, %arg31: memref<80x256xf32, #tpu.memory_space<vmem>>, %arg32: memref<!tpu.dma_semaphore, #tpu.memory_space<semaphore_mem>>, %arg33: memref<!tpu.dma_semaphore, #tpu.memory_space<semaphore_mem>>, %arg34: memref<!tpu.dma_semaphore, #tpu.memory_space<semaphore_mem>>) attributes {dimension_semantics = [#tpu.dimension_semantics<core_parallel>, #tpu.dimension_semantics<subcore_parallel>], iteration_bounds = array<i64: 2, 16>, scalar_prefetch = 0 : i64, scratch_operands = 28 : i64, tpu.core_type = #tpu.core_type<sc_vector_subcore>, window_params = [{transform_indices = #map}, {transform_indices = #map}, {transform_indices = #map1}, {transform_indices = #map1}, {transform_indices = #map1}]} {
    %mul3A = arith.constant 2 : i32
    %mul3A_0 = arith.muli %arg1, %mul3A : i32
    %add3A = arith.addi %mul3A_0, %arg0 : i32
    %mul3A_1 = arith.constant 1920 : i32
    %mul3A_2 = arith.muli %add3A, %mul3A_1 : i32
    %add3A_3 = arith.constant 0 : i32
    %add3A_4 = arith.addi %mul3A_2, %add3A_3 : i32
    %multiple_of3A = tpu.assume_multiple %add3A_4, 80 : i32
    %dma_start3A = tpu.memref_slice %arg2[%multiple_of3A] : memref<61440xi32, #tpu.memory_space<hbm>> -> memref<80xi32, #tpu.memory_space<hbm>>
    %dma_start3A_5 = tpu.memref_slice %arg2[%multiple_of3A] : memref<61440xi32, #tpu.memory_space<hbm>> -> memref<80xi32, #tpu.memory_space<hbm>>
    tpu.enqueue_dma source(%dma_start3A_5 : memref<80xi32, #tpu.memory_space<hbm>>) target(%arg7 : memref<80xi32, #tpu.memory_space<vmem>>) target_semaphore(%arg11 : memref<!tpu.dma_semaphore, #tpu.memory_space<semaphore_mem>>)
    %dma_start3A_6 = tpu.memref_slice %arg3[%multiple_of3A] : memref<61440xi32, #tpu.memory_space<hbm>> -> memref<80xi32, #tpu.memory_space<hbm>>
    %dma_start3A_7 = tpu.memref_slice %arg3[%multiple_of3A] : memref<61440xi32, #tpu.memory_space<hbm>> -> memref<80xi32, #tpu.memory_space<hbm>>
    tpu.enqueue_dma source(%dma_start3A_7 : memref<80xi32, #tpu.memory_space<hbm>>) target(%arg8 : memref<80xi32, #tpu.memory_space<vmem>>) target_semaphore(%arg11 : memref<!tpu.dma_semaphore, #tpu.memory_space<semaphore_mem>>)
    %add3A_8 = arith.constant 80 : i32
    %add3A_9 = arith.addi %mul3A_2, %add3A_8 : i32
    %multiple_of3A_10 = tpu.assume_multiple %add3A_9, 80 : i32
    %dma_start3A_11 = tpu.memref_slice %arg2[%multiple_of3A_10] : memref<61440xi32, #tpu.memory_space<hbm>> -> memref<80xi32, #tpu.memory_space<hbm>>
    %dma_start3A_12 = tpu.memref_slice %arg2[%multiple_of3A_10] : memref<61440xi32, #tpu.memory_space<hbm>> -> memref<80xi32, #tpu.memory_space<hbm>>
    tpu.enqueue_dma source(%dma_start3A_12 : memref<80xi32, #tpu.memory_space<hbm>>) target(%arg14 : memref<80xi32, #tpu.memory_space<vmem>>) target_semaphore(%arg18 : memref<!tpu.dma_semaphore, #tpu.memory_space<semaphore_mem>>)
    %dma_start3A_13 = tpu.memref_slice %arg3[%multiple_of3A_10] : memref<61440xi32, #tpu.memory_space<hbm>> -> memref<80xi32, #tpu.memory_space<hbm>>
    %dma_start3A_14 = tpu.memref_slice %arg3[%multiple_of3A_10] : memref<61440xi32, #tpu.memory_space<hbm>> -> memref<80xi32, #tpu.memory_space<hbm>>
    tpu.enqueue_dma source(%dma_start3A_14 : memref<80xi32, #tpu.memory_space<hbm>>) target(%arg15 : memref<80xi32, #tpu.memory_space<vmem>>) target_semaphore(%arg18 : memref<!tpu.dma_semaphore, #tpu.memory_space<semaphore_mem>>)
    %add3A_15 = arith.constant 160 : i32
    %add3A_16 = arith.addi %mul3A_2, %add3A_15 : i32
    %multiple_of3A_17 = tpu.assume_multiple %add3A_16, 80 : i32
    %dma_start3A_18 = tpu.memref_slice %arg2[%multiple_of3A_17] : memref<61440xi32, #tpu.memory_space<hbm>> -> memref<80xi32, #tpu.memory_space<hbm>>
    %dma_start3A_19 = tpu.memref_slice %arg2[%multiple_of3A_17] : memref<61440xi32, #tpu.memory_space<hbm>> -> memref<80xi32, #tpu.memory_space<hbm>>
    tpu.enqueue_dma source(%dma_start3A_19 : memref<80xi32, #tpu.memory_space<hbm>>) target(%arg21 : memref<80xi32, #tpu.memory_space<vmem>>) target_semaphore(%arg25 : memref<!tpu.dma_semaphore, #tpu.memory_space<semaphore_mem>>)
    %dma_start3A_20 = tpu.memref_slice %arg3[%multiple_of3A_17] : memref<61440xi32, #tpu.memory_space<hbm>> -> memref<80xi32, #tpu.memory_space<hbm>>
    %dma_start3A_21 = tpu.memref_slice %arg3[%multiple_of3A_17] : memref<61440xi32, #tpu.memory_space<hbm>> -> memref<80xi32, #tpu.memory_space<hbm>>
    tpu.enqueue_dma source(%dma_start3A_21 : memref<80xi32, #tpu.memory_space<hbm>>) target(%arg22 : memref<80xi32, #tpu.memory_space<vmem>>) target_semaphore(%arg25 : memref<!tpu.dma_semaphore, #tpu.memory_space<semaphore_mem>>)
    %add3A_22 = arith.constant 240 : i32
    %add3A_23 = arith.addi %mul3A_2, %add3A_22 : i32
    %multiple_of3A_24 = tpu.assume_multiple %add3A_23, 80 : i32
    %dma_start3A_25 = tpu.memref_slice %arg2[%multiple_of3A_24] : memref<61440xi32, #tpu.memory_space<hbm>> -> memref<80xi32, #tpu.memory_space<hbm>>
    %dma_start3A_26 = tpu.memref_slice %arg2[%multiple_of3A_24] : memref<61440xi32, #tpu.memory_space<hbm>> -> memref<80xi32, #tpu.memory_space<hbm>>
    tpu.enqueue_dma source(%dma_start3A_26 : memref<80xi32, #tpu.memory_space<hbm>>) target(%arg28 : memref<80xi32, #tpu.memory_space<vmem>>) target_semaphore(%arg32 : memref<!tpu.dma_semaphore, #tpu.memory_space<semaphore_mem>>)
    %dma_start3A_27 = tpu.memref_slice %arg3[%multiple_of3A_24] : memref<61440xi32, #tpu.memory_space<hbm>> -> memref<80xi32, #tpu.memory_space<hbm>>
    %dma_start3A_28 = tpu.memref_slice %arg3[%multiple_of3A_24] : memref<61440xi32, #tpu.memory_space<hbm>> -> memref<80xi32, #tpu.memory_space<hbm>>
    tpu.enqueue_dma source(%dma_start3A_28 : memref<80xi32, #tpu.memory_space<hbm>>) target(%arg29 : memref<80xi32, #tpu.memory_space<vmem>>) target_semaphore(%arg32 : memref<!tpu.dma_semaphore, #tpu.memory_space<semaphore_mem>>)
    %scan3A = arith.constant 0 : i32
    %scan3A_29 = arith.constant 0 : i32
    %scan3A_30 = arith.constant 6 : i32
    %scan3A_31 = arith.addi %scan3A_29, %scan3A_30 : i32
    %scan3A_32 = arith.constant 1 : i32
    %scan3A_33 = scf.for %scan3A_106 = %scan3A_29 to %scan3A_31 step %scan3A_32 iter_args(%scan3A_107 = %scan3A) -> (i32)  : i32 {
      %mul3A_108 = arith.constant 4 : i32
      %mul3A_109 = arith.muli %scan3A_106, %mul3A_108 : i32
      %add3A_110 = arith.constant 0 : i32
      %add3A_111 = arith.addi %mul3A_109, %add3A_110 : i32
      %mul3A_112 = arith.constant 80 : i32
      %mul3A_113 = arith.muli %add3A_111, %mul3A_112 : i32
      %add3A_114 = arith.addi %mul3A_2, %mul3A_113 : i32
      %multiple_of3A_115 = tpu.assume_multiple %add3A_114, 80 : i32
      %dma_wait3A_116 = tpu.memref_slice %arg2[%multiple_of3A_115] : memref<61440xi32, #tpu.memory_space<hbm>> -> memref<80xi32, #tpu.memory_space<hbm>>
      %dma_wait3A_117 = tpu.memref_slice %arg2[%multiple_of3A_115] : memref<61440xi32, #tpu.memory_space<hbm>> -> memref<80xi32, #tpu.memory_space<hbm>>
      tpu.wait_dma2 semaphore(%arg11 : memref<!tpu.dma_semaphore, #tpu.memory_space<semaphore_mem>>) src(%dma_wait3A_117 : memref<80xi32, #tpu.memory_space<hbm>>) dst(%arg7 : memref<80xi32, #tpu.memory_space<vmem>>)
      %dma_wait3A_118 = tpu.memref_slice %arg3[%multiple_of3A_115] : memref<61440xi32, #tpu.memory_space<hbm>> -> memref<80xi32, #tpu.memory_space<hbm>>
      %dma_wait3A_119 = tpu.memref_slice %arg3[%multiple_of3A_115] : memref<61440xi32, #tpu.memory_space<hbm>> -> memref<80xi32, #tpu.memory_space<hbm>>
      tpu.wait_dma2 semaphore(%arg11 : memref<!tpu.dma_semaphore, #tpu.memory_space<semaphore_mem>>) src(%dma_wait3A_119 : memref<80xi32, #tpu.memory_space<hbm>>) dst(%arg8 : memref<80xi32, #tpu.memory_space<vmem>>)
      %jit3A = arith.constant 32 : i32
      %eq3A = arith.constant 0 : i32
      %eq3A_120 = arith.cmpi eq, %jit3A, %eq3A : i32
      %jit3A_121 = arith.constant 1 : i32
      %select_n3A = arith.select %eq3A_120, %jit3A_121, %jit3A : i32
      %rem3A = arith.remsi %add3A, %select_n3A : i32
      %ne3A = arith.constant 0 : i32
      %ne3A_122 = arith.cmpi ne, %rem3A, %ne3A : i32
      %lt3A = arith.constant 0 : i32
      %lt3A_123 = arith.cmpi slt, %rem3A, %lt3A : i32
      %lt3A_124 = arith.constant 0 : i32
      %lt3A_125 = arith.cmpi slt, %select_n3A, %lt3A_124 : i32
      %ne3A_126 = arith.xori %lt3A_123, %lt3A_125 : i1
      %and3A = arith.andi %ne3A_126, %ne3A_122 : i1
      %add3A_127 = arith.addi %rem3A, %select_n3A : i32
      %select_n3A_128 = arith.select %and3A, %add3A_127, %rem3A : i32
      %mul3A_129 = arith.constant 36 : i32
      %mul3A_130 = arith.muli %select_n3A_128, %mul3A_129 : i32
      %get3A = arith.constant 0 : index
      %get3A_131 = tpu.vector_load %arg7[%get3A] {strides = array<i32>} : memref<80xi32, #tpu.memory_space<vmem>>, vector<16xi32>,
      %get3A_132 = vector.shape_cast %get3A_131 : vector<16xi32> to vector<16xi32>
      %mul3A_133 = arith.constant 6 : i32
      %mul3A_134 = vector.broadcast %mul3A_133 : i32 to vector<16xi32>
      %mul3A_135 = arith.muli %get3A_132, %mul3A_134 : vector<16xi32>
      %get3A_136 = arith.constant 0 : index
      %get3A_137 = tpu.vector_load %arg8[%get3A_136] {strides = array<i32>} : memref<80xi32, #tpu.memory_space<vmem>>, vector<16xi32>,
      %get3A_138 = vector.shape_cast %get3A_137 : vector<16xi32> to vector<16xi32>
      %add3A_139 = arith.addi %mul3A_135, %get3A_138 : vector<16xi32>
      %add3A_140 = vector.broadcast %mul3A_130 : i32 to vector<16xi32>
      %add3A_141 = arith.addi %add3A_139, %add3A_140 : vector<16xi32>
      %swap3A = arith.constant 0 : index
      %swap3A_142 = tpu.vector_load %arg9[%swap3A] {strides = array<i32>} : memref<80xi32, #tpu.memory_space<vmem>>, vector<16xi32>,
      %swap3A_143 = vector.shape_cast %swap3A_142 : vector<16xi32> to vector<16xi32>
      %swap3A_144 = vector.shape_cast %add3A_141 : vector<16xi32> to vector<16xi32>
      tpu.vector_store %arg9[%swap3A], %swap3A_144 {strides = array<i32>} : memref<80xi32, #tpu.memory_space<vmem>>, vector<16xi32>,
      %get3A_145 = arith.constant 16 : index
      %get3A_146 = tpu.vector_load %arg7[%get3A_145] {strides = array<i32>} : memref<80xi32, #tpu.memory_space<vmem>>, vector<16xi32>,
      %get3A_147 = vector.shape_cast %get3A_146 : vector<16xi32> to vector<16xi32>
      %mul3A_148 = arith.constant 6 : i32
      %mul3A_149 = vector.broadcast %mul3A_148 : i32 to vector<16xi32>
      %mul3A_150 = arith.muli %get3A_147, %mul3A_149 : vector<16xi32>
      %get3A_151 = arith.constant 16 : index
      %get3A_152 = tpu.vector_load %arg8[%get3A_151] {strides = array<i32>} : memref<80xi32, #tpu.memory_space<vmem>>, vector<16xi32>,
      %get3A_153 = vector.shape_cast %get3A_152 : vector<16xi32> to vector<16xi32>
      %add3A_154 = arith.addi %mul3A_150, %get3A_153 : vector<16xi32>
      %add3A_155 = vector.broadcast %mul3A_130 : i32 to vector<16xi32>
      %add3A_156 = arith.addi %add3A_154, %add3A_155 : vector<16xi32>
      %swap3A_157 = arith.constant 16 : index
      %swap3A_158 = tpu.vector_load %arg9[%swap3A_157] {strides = array<i32>} : memref<80xi32, #tpu.memory_space<vmem>>, vector<16xi32>,
      %swap3A_159 = vector.shape_cast %swap3A_158 : vector<16xi32> to vector<16xi32>
      %swap3A_160 = vector.shape_cast %add3A_156 : vector<16xi32> to vector<16xi32>
      tpu.vector_store %arg9[%swap3A_157], %swap3A_160 {strides = array<i32>} : memref<80xi32, #tpu.memory_space<vmem>>, vector<16xi32>,
      %get3A_161 = arith.constant 32 : index
      %get3A_162 = tpu.vector_load %arg7[%get3A_161] {strides = array<i32>} : memref<80xi32, #tpu.memory_space<vmem>>, vector<16xi32>,
      %get3A_163 = vector.shape_cast %get3A_162 : vector<16xi32> to vector<16xi32>
      %mul3A_164 = arith.constant 6 : i32
      %mul3A_165 = vector.broadcast %mul3A_164 : i32 to vector<16xi32>
      %mul3A_166 = arith.muli %get3A_163, %mul3A_165 : vector<16xi32>
      %get3A_167 = arith.constant 32 : index
      %get3A_168 = tpu.vector_load %arg8[%get3A_167] {strides = array<i32>} : memref<80xi32, #tpu.memory_space<vmem>>, vector<16xi32>,
      %get3A_169 = vector.shape_cast %get3A_168 : vector<16xi32> to vector<16xi32>
      %add3A_170 = arith.addi %mul3A_166, %get3A_169 : vector<16xi32>
      %add3A_171 = vector.broadcast %mul3A_130 : i32 to vector<16xi32>
      %add3A_172 = arith.addi %add3A_170, %add3A_171 : vector<16xi32>
      %swap3A_173 = arith.constant 32 : index
      %swap3A_174 = tpu.vector_load %arg9[%swap3A_173] {strides = array<i32>} : memref<80xi32, #tpu.memory_space<vmem>>, vector<16xi32>,
      %swap3A_175 = vector.shape_cast %swap3A_174 : vector<16xi32> to vector<16xi32>
      %swap3A_176 = vector.shape_cast %add3A_172 : vector<16xi32> to vector<16xi32>
      tpu.vector_store %arg9[%swap3A_173], %swap3A_176 {strides = array<i32>} : memref<80xi32, #tpu.memory_space<vmem>>, vector<16xi32>,
      %get3A_177 = arith.constant 48 : index
      %get3A_178 = tpu.vector_load %arg7[%get3A_177] {strides = array<i32>} : memref<80xi32, #tpu.memory_space<vmem>>, vector<16xi32>,
      %get3A_179 = vector.shape_cast %get3A_178 : vector<16xi32> to vector<16xi32>
      %mul3A_180 = arith.constant 6 : i32
      %mul3A_181 = vector.broadcast %mul3A_180 : i32 to vector<16xi32>
      %mul3A_182 = arith.muli %get3A_179, %mul3A_181 : vector<16xi32>
      %get3A_183 = arith.constant 48 : index
      %get3A_184 = tpu.vector_load %arg8[%get3A_183] {strides = array<i32>} : memref<80xi32, #tpu.memory_space<vmem>>, vector<16xi32>,
      %get3A_185 = vector.shape_cast %get3A_184 : vector<16xi32> to vector<16xi32>
      %add3A_186 = arith.addi %mul3A_182, %get3A_185 : vector<16xi32>
      %add3A_187 = vector.broadcast %mul3A_130 : i32 to vector<16xi32>
      %add3A_188 = arith.addi %add3A_186, %add3A_187 : vector<16xi32>
      %swap3A_189 = arith.constant 48 : index
      %swap3A_190 = tpu.vector_load %arg9[%swap3A_189] {strides = array<i32>} : memref<80xi32, #tpu.memory_space<vmem>>, vector<16xi32>,
      %swap3A_191 = vector.shape_cast %swap3A_190 : vector<16xi32> to vector<16xi32>
      %swap3A_192 = vector.shape_cast %add3A_188 : vector<16xi32> to vector<16xi32>
      tpu.vector_store %arg9[%swap3A_189], %swap3A_192 {strides = array<i32>} : memref<80xi32, #tpu.memory_space<vmem>>, vector<16xi32>,
      %get3A_193 = arith.constant 64 : index
      %get3A_194 = tpu.vector_load %arg7[%get3A_193] {strides = array<i32>} : memref<80xi32, #tpu.memory_space<vmem>>, vector<16xi32>,
      %get3A_195 = vector.shape_cast %get3A_194 : vector<16xi32> to vector<16xi32>
      %mul3A_196 = arith.constant 6 : i32
      %mul3A_197 = vector.broadcast %mul3A_196 : i32 to vector<16xi32>
      %mul3A_198 = arith.muli %get3A_195, %mul3A_197 : vector<16xi32>
      %get3A_199 = arith.constant 64 : index
      %get3A_200 = tpu.vector_load %arg8[%get3A_199] {strides = array<i32>} : memref<80xi32, #tpu.memory_space<vmem>>, vector<16xi32>,
      %get3A_201 = vector.shape_cast %get3A_200 : vector<16xi32> to vector<16xi32>
      %add3A_202 = arith.addi %mul3A_198, %get3A_201 : vector<16xi32>
      %add3A_203 = vector.broadcast %mul3A_130 : i32 to vector<16xi32>
      %add3A_204 = arith.addi %add3A_202, %add3A_203 : vector<16xi32>
      %swap3A_205 = arith.constant 64 : index
      %swap3A_206 = tpu.vector_load %arg9[%swap3A_205] {strides = array<i32>} : memref<80xi32, #tpu.memory_space<vmem>>, vector<16xi32>,
      %swap3A_207 = vector.shape_cast %swap3A_206 : vector<16xi32> to vector<16xi32>
      %swap3A_208 = vector.shape_cast %add3A_204 : vector<16xi32> to vector<16xi32>
      tpu.vector_store %arg9[%swap3A_205], %swap3A_208 {strides = array<i32>} : memref<80xi32, #tpu.memory_space<vmem>>, vector<16xi32>,
      %ge3A = arith.constant 4 : i32
      %ge3A_209 = arith.cmpi sge, %add3A_111, %ge3A : i32
      %convert_element_type3A = arith.extui %ge3A_209 : i1 to i32
      %cond3A = arith.constant 0 : i32
      %cond3A_210 = arith.cmpi ne, %convert_element_type3A, %cond3A : i32
      scf.if %cond3A_210 {
        %sub3A = arith.constant 4 : i32
        %sub3A_617 = arith.subi %add3A_111, %sub3A : i32
        %add3A_618 = arith.constant 143360 : i32
        %add3A_619 = arith.addi %add3A_618, %mul3A_2 : i32
        %mul3A_620 = arith.constant 80 : i32
        %mul3A_621 = arith.muli %sub3A_617, %mul3A_620 : i32
        %add3A_622 = arith.addi %add3A_619, %mul3A_621 : i32
        %multiple_of3A_623 = tpu.assume_multiple %add3A_622, 80 : i32
        %dma_wait3A_624 = arith.constant 0 : i32
        %dma_wait3A_625 = tpu.memref_slice %arg5[%multiple_of3A_623, %dma_wait3A_624] : memref<204800x256xf32, #tpu.memory_space<hbm>> -> memref<80x256xf32, #tpu.memory_space<hbm>>
        %dma_wait3A_626 = arith.constant 0 : i32
        %dma_wait3A_627 = tpu.memref_slice %arg5[%multiple_of3A_623, %dma_wait3A_626] : memref<204800x256xf32, #tpu.memory_space<hbm>> -> memref<80x256xf32, #tpu.memory_space<hbm>>
        tpu.wait_dma2 semaphore(%arg12 : memref<!tpu.dma_semaphore, #tpu.memory_space<semaphore_mem>>) src(%arg10 : memref<80x256xf32, #tpu.memory_space<vmem>>) dst(%dma_wait3A_627 : memref<80x256xf32, #tpu.memory_space<hbm>>)
      } else {
      }
      %dma_start3A_211 = arith.constant 0 : i32
      %dma_start3A_212 = arith.constant 0 : i32
      %dma_start3A_213 = tpu.memref_slice %arg4[%dma_start3A_211, %dma_start3A_212] : memref<1152x256xf32, #tpu.memory_space<hbm>> -> memref<1152x256xf32, #tpu.memory_space<hbm>>
      tpu.enqueue_indirect_dma source(%dma_start3A_213 : memref<1152x256xf32, #tpu.memory_space<hbm>>) target(%arg10 : memref<80x256xf32, #tpu.memory_space<vmem>>) offsets(%arg9 : memref<80xi32, #tpu.memory_space<vmem>>) semaphore(%arg13 : memref<!tpu.dma_semaphore, #tpu.memory_space<semaphore_mem>>)
      %add3A_214 = arith.constant 4 : i32
      %add3A_215 = arith.addi %add3A_111, %add3A_214 : i32
      %lt3A_216 = arith.constant 24 : i32
      %lt3A_217 = arith.cmpi slt, %add3A_215, %lt3A_216 : i32
      %convert_element_type3A_218 = arith.extui %lt3A_217 : i1 to i32
      %cond3A_219 = arith.constant 0 : i32
      %cond3A_220 = arith.cmpi ne, %convert_element_type3A_218, %cond3A_219 : i32
      scf.if %cond3A_220 {
        %add3A_617 = arith.constant 4 : i32
        %add3A_618 = arith.addi %add3A_111, %add3A_617 : i32
        %mul3A_619 = arith.constant 80 : i32
        %mul3A_620 = arith.muli %add3A_618, %mul3A_619 : i32
        %add3A_621 = arith.addi %mul3A_2, %mul3A_620 : i32
        %multiple_of3A_622 = tpu.assume_multiple %add3A_621, 80 : i32
        %dma_start3A_623 = tpu.memref_slice %arg2[%multiple_of3A_622] : memref<61440xi32, #tpu.memory_space<hbm>> -> memref<80xi32, #tpu.memory_space<hbm>>
        %dma_start3A_624 = tpu.memref_slice %arg2[%multiple_of3A_622] : memref<61440xi32, #tpu.memory_space<hbm>> -> memref<80xi32, #tpu.memory_space<hbm>>
        tpu.enqueue_dma source(%dma_start3A_624 : memref<80xi32, #tpu.memory_space<hbm>>) target(%arg7 : memref<80xi32, #tpu.memory_space<vmem>>) target_semaphore(%arg11 : memref<!tpu.dma_semaphore, #tpu.memory_space<semaphore_mem>>)
        %dma_start3A_625 = tpu.memref_slice %arg3[%multiple_of3A_622] : memref<61440xi32, #tpu.memory_space<hbm>> -> memref<80xi32, #tpu.memory_space<hbm>>
        %dma_start3A_626 = tpu.memref_slice %arg3[%multiple_of3A_622] : memref<61440xi32, #tpu.memory_space<hbm>> -> memref<80xi32, #tpu.memory_space<hbm>>
        tpu.enqueue_dma source(%dma_start3A_626 : memref<80xi32, #tpu.memory_space<hbm>>) target(%arg8 : memref<80xi32, #tpu.memory_space<vmem>>) target_semaphore(%arg11 : memref<!tpu.dma_semaphore, #tpu.memory_space<semaphore_mem>>)
      } else {
      }
      %ge3A_221 = arith.constant 3 : i32
      %ge3A_222 = arith.cmpi sge, %add3A_111, %ge3A_221 : i32
      %convert_element_type3A_223 = arith.extui %ge3A_222 : i1 to i32
      %cond3A_224 = arith.constant 0 : i32
      %cond3A_225 = arith.cmpi ne, %convert_element_type3A_223, %cond3A_224 : i32
      scf.if %cond3A_225 {
        %dma_wait3A_617 = arith.constant 0 : i32
        %dma_wait3A_618 = arith.constant 0 : i32
        %dma_wait3A_619 = tpu.memref_slice %arg4[%dma_wait3A_617, %dma_wait3A_618] : memref<1152x256xf32, #tpu.memory_space<hbm>> -> memref<1152x256xf32, #tpu.memory_space<hbm>>
        tpu.wait_indirect_dma semaphore(%arg20 : memref<!tpu.dma_semaphore, #tpu.memory_space<semaphore_mem>>) src(%dma_wait3A_619 : memref<1152x256xf32, #tpu.memory_space<hbm>>) dst(%arg17 : memref<80x256xf32, #tpu.memory_space<vmem>>)
        %sub3A = arith.constant 3 : i32
        %sub3A_620 = arith.subi %add3A_111, %sub3A : i32
        %add3A_621 = arith.constant 143360 : i32
        %add3A_622 = arith.addi %add3A_621, %mul3A_2 : i32
        %mul3A_623 = arith.constant 80 : i32
        %mul3A_624 = arith.muli %sub3A_620, %mul3A_623 : i32
        %add3A_625 = arith.addi %add3A_622, %mul3A_624 : i32
        %multiple_of3A_626 = tpu.assume_multiple %add3A_625, 80 : i32
        %dma_start3A_627 = arith.constant 0 : i32
        %dma_start3A_628 = tpu.memref_slice %arg5[%multiple_of3A_626, %dma_start3A_627] : memref<204800x256xf32, #tpu.memory_space<hbm>> -> memref<80x256xf32, #tpu.memory_space<hbm>>
        %dma_start3A_629 = arith.constant 0 : i32
        %dma_start3A_630 = tpu.memref_slice %arg5[%multiple_of3A_626, %dma_start3A_629] : memref<204800x256xf32, #tpu.memory_space<hbm>> -> memref<80x256xf32, #tpu.memory_space<hbm>>
        tpu.enqueue_dma source(%arg17 : memref<80x256xf32, #tpu.memory_space<vmem>>) target(%dma_start3A_630 : memref<80x256xf32, #tpu.memory_space<hbm>>) target_semaphore(%arg19 : memref<!tpu.dma_semaphore, #tpu.memory_space<semaphore_mem>>)
      } else {
      }
      %mul3A_226 = arith.constant 4 : i32
      %mul3A_227 = arith.muli %scan3A_106, %mul3A_226 : i32
      %add3A_228 = arith.constant 1 : i32
      %add3A_229 = arith.addi %mul3A_227, %add3A_228 : i32
      %mul3A_230 = arith.constant 80 : i32
      %mul3A_231 = arith.muli %add3A_229, %mul3A_230 : i32
      %add3A_232 = arith.addi %mul3A_2, %mul3A_231 : i32
      %multiple_of3A_233 = tpu.assume_multiple %add3A_232, 80 : i32
      %dma_wait3A_234 = tpu.memref_slice %arg2[%multiple_of3A_233] : memref<61440xi32, #tpu.memory_space<hbm>> -> memref<80xi32, #tpu.memory_space<hbm>>
      %dma_wait3A_235 = tpu.memref_slice %arg2[%multiple_of3A_233] : memref<61440xi32, #tpu.memory_space<hbm>> -> memref<80xi32, #tpu.memory_space<hbm>>
      tpu.wait_dma2 semaphore(%arg18 : memref<!tpu.dma_semaphore, #tpu.memory_space<semaphore_mem>>) src(%dma_wait3A_235 : memref<80xi32, #tpu.memory_space<hbm>>) dst(%arg14 : memref<80xi32, #tpu.memory_space<vmem>>)
      %dma_wait3A_236 = tpu.memref_slice %arg3[%multiple_of3A_233] : memref<61440xi32, #tpu.memory_space<hbm>> -> memref<80xi32, #tpu.memory_space<hbm>>
      %dma_wait3A_237 = tpu.memref_slice %arg3[%multiple_of3A_233] : memref<61440xi32, #tpu.memory_space<hbm>> -> memref<80xi32, #tpu.memory_space<hbm>>
      tpu.wait_dma2 semaphore(%arg18 : memref<!tpu.dma_semaphore, #tpu.memory_space<semaphore_mem>>) src(%dma_wait3A_237 : memref<80xi32, #tpu.memory_space<hbm>>) dst(%arg15 : memref<80xi32, #tpu.memory_space<vmem>>)
      %jit3A_238 = arith.constant 32 : i32
      %eq3A_239 = arith.constant 0 : i32
      %eq3A_240 = arith.cmpi eq, %jit3A_238, %eq3A_239 : i32
      %jit3A_241 = arith.constant 1 : i32
      %select_n3A_242 = arith.select %eq3A_240, %jit3A_241, %jit3A_238 : i32
      %rem3A_243 = arith.remsi %add3A, %select_n3A_242 : i32
      %ne3A_244 = arith.constant 0 : i32
      %ne3A_245 = arith.cmpi ne, %rem3A_243, %ne3A_244 : i32
      %lt3A_246 = arith.constant 0 : i32
      %lt3A_247 = arith.cmpi slt, %rem3A_243, %lt3A_246 : i32
      %lt3A_248 = arith.constant 0 : i32
      %lt3A_249 = arith.cmpi slt, %select_n3A_242, %lt3A_248 : i32
      %ne3A_250 = arith.xori %lt3A_247, %lt3A_249 : i1
      %and3A_251 = arith.andi %ne3A_250, %ne3A_245 : i1
      %add3A_252 = arith.addi %rem3A_243, %select_n3A_242 : i32
      %select_n3A_253 = arith.select %and3A_251, %add3A_252, %rem3A_243 : i32
      %mul3A_254 = arith.constant 36 : i32
      %mul3A_255 = arith.muli %select_n3A_253, %mul3A_254 : i32
      %get3A_256 = arith.constant 0 : index
      %get3A_257 = tpu.vector_load %arg14[%get3A_256] {strides = array<i32>} : memref<80xi32, #tpu.memory_space<vmem>>, vector<16xi32>,
      %get3A_258 = vector.shape_cast %get3A_257 : vector<16xi32> to vector<16xi32>
      %mul3A_259 = arith.constant 6 : i32
      %mul3A_260 = vector.broadcast %mul3A_259 : i32 to vector<16xi32>
      %mul3A_261 = arith.muli %get3A_258, %mul3A_260 : vector<16xi32>
      %get3A_262 = arith.constant 0 : index
      %get3A_263 = tpu.vector_load %arg15[%get3A_262] {strides = array<i32>} : memref<80xi32, #tpu.memory_space<vmem>>, vector<16xi32>,
      %get3A_264 = vector.shape_cast %get3A_263 : vector<16xi32> to vector<16xi32>
      %add3A_265 = arith.addi %mul3A_261, %get3A_264 : vector<16xi32>
      %add3A_266 = vector.broadcast %mul3A_255 : i32 to vector<16xi32>
      %add3A_267 = arith.addi %add3A_265, %add3A_266 : vector<16xi32>
      %swap3A_268 = arith.constant 0 : index
      %swap3A_269 = tpu.vector_load %arg16[%swap3A_268] {strides = array<i32>} : memref<80xi32, #tpu.memory_space<vmem>>, vector<16xi32>,
      %swap3A_270 = vector.shape_cast %swap3A_269 : vector<16xi32> to vector<16xi32>
      %swap3A_271 = vector.shape_cast %add3A_267 : vector<16xi32> to vector<16xi32>
      tpu.vector_store %arg16[%swap3A_268], %swap3A_271 {strides = array<i32>} : memref<80xi32, #tpu.memory_space<vmem>>, vector<16xi32>,
      %get3A_272 = arith.constant 16 : index
      %get3A_273 = tpu.vector_load %arg14[%get3A_272] {strides = array<i32>} : memref<80xi32, #tpu.memory_space<vmem>>, vector<16xi32>,
      %get3A_274 = vector.shape_cast %get3A_273 : vector<16xi32> to vector<16xi32>
      %mul3A_275 = arith.constant 6 : i32
      %mul3A_276 = vector.broadcast %mul3A_275 : i32 to vector<16xi32>
      %mul3A_277 = arith.muli %get3A_274, %mul3A_276 : vector<16xi32>
      %get3A_278 = arith.constant 16 : index
      %get3A_279 = tpu.vector_load %arg15[%get3A_278] {strides = array<i32>} : memref<80xi32, #tpu.memory_space<vmem>>, vector<16xi32>,
      %get3A_280 = vector.shape_cast %get3A_279 : vector<16xi32> to vector<16xi32>
      %add3A_281 = arith.addi %mul3A_277, %get3A_280 : vector<16xi32>
      %add3A_282 = vector.broadcast %mul3A_255 : i32 to vector<16xi32>
      %add3A_283 = arith.addi %add3A_281, %add3A_282 : vector<16xi32>
      %swap3A_284 = arith.constant 16 : index
      %swap3A_285 = tpu.vector_load %arg16[%swap3A_284] {strides = array<i32>} : memref<80xi32, #tpu.memory_space<vmem>>, vector<16xi32>,
      %swap3A_286 = vector.shape_cast %swap3A_285 : vector<16xi32> to vector<16xi32>
      %swap3A_287 = vector.shape_cast %add3A_283 : vector<16xi32> to vector<16xi32>
      tpu.vector_store %arg16[%swap3A_284], %swap3A_287 {strides = array<i32>} : memref<80xi32, #tpu.memory_space<vmem>>, vector<16xi32>,
      %get3A_288 = arith.constant 32 : index
      %get3A_289 = tpu.vector_load %arg14[%get3A_288] {strides = array<i32>} : memref<80xi32, #tpu.memory_space<vmem>>, vector<16xi32>,
      %get3A_290 = vector.shape_cast %get3A_289 : vector<16xi32> to vector<16xi32>
      %mul3A_291 = arith.constant 6 : i32
      %mul3A_292 = vector.broadcast %mul3A_291 : i32 to vector<16xi32>
      %mul3A_293 = arith.muli %get3A_290, %mul3A_292 : vector<16xi32>
      %get3A_294 = arith.constant 32 : index
      %get3A_295 = tpu.vector_load %arg15[%get3A_294] {strides = array<i32>} : memref<80xi32, #tpu.memory_space<vmem>>, vector<16xi32>,
      %get3A_296 = vector.shape_cast %get3A_295 : vector<16xi32> to vector<16xi32>
      %add3A_297 = arith.addi %mul3A_293, %get3A_296 : vector<16xi32>
      %add3A_298 = vector.broadcast %mul3A_255 : i32 to vector<16xi32>
      %add3A_299 = arith.addi %add3A_297, %add3A_298 : vector<16xi32>
      %swap3A_300 = arith.constant 32 : index
      %swap3A_301 = tpu.vector_load %arg16[%swap3A_300] {strides = array<i32>} : memref<80xi32, #tpu.memory_space<vmem>>, vector<16xi32>,
      %swap3A_302 = vector.shape_cast %swap3A_301 : vector<16xi32> to vector<16xi32>
      %swap3A_303 = vector.shape_cast %add3A_299 : vector<16xi32> to vector<16xi32>
      tpu.vector_store %arg16[%swap3A_300], %swap3A_303 {strides = array<i32>} : memref<80xi32, #tpu.memory_space<vmem>>, vector<16xi32>,
      %get3A_304 = arith.constant 48 : index
      %get3A_305 = tpu.vector_load %arg14[%get3A_304] {strides = array<i32>} : memref<80xi32, #tpu.memory_space<vmem>>, vector<16xi32>,
      %get3A_306 = vector.shape_cast %get3A_305 : vector<16xi32> to vector<16xi32>
      %mul3A_307 = arith.constant 6 : i32
      %mul3A_308 = vector.broadcast %mul3A_307 : i32 to vector<16xi32>
      %mul3A_309 = arith.muli %get3A_306, %mul3A_308 : vector<16xi32>
      %get3A_310 = arith.constant 48 : index
      %get3A_311 = tpu.vector_load %arg15[%get3A_310] {strides = array<i32>} : memref<80xi32, #tpu.memory_space<vmem>>, vector<16xi32>,
      %get3A_312 = vector.shape_cast %get3A_311 : vector<16xi32> to vector<16xi32>
      %add3A_313 = arith.addi %mul3A_309, %get3A_312 : vector<16xi32>
      %add3A_314 = vector.broadcast %mul3A_255 : i32 to vector<16xi32>
      %add3A_315 = arith.addi %add3A_313, %add3A_314 : vector<16xi32>
      %swap3A_316 = arith.constant 48 : index
      %swap3A_317 = tpu.vector_load %arg16[%swap3A_316] {strides = array<i32>} : memref<80xi32, #tpu.memory_space<vmem>>, vector<16xi32>,
      %swap3A_318 = vector.shape_cast %swap3A_317 : vector<16xi32> to vector<16xi32>
      %swap3A_319 = vector.shape_cast %add3A_315 : vector<16xi32> to vector<16xi32>
      tpu.vector_store %arg16[%swap3A_316], %swap3A_319 {strides = array<i32>} : memref<80xi32, #tpu.memory_space<vmem>>, vector<16xi32>,
      %get3A_320 = arith.constant 64 : index
      %get3A_321 = tpu.vector_load %arg14[%get3A_320] {strides = array<i32>} : memref<80xi32, #tpu.memory_space<vmem>>, vector<16xi32>,
      %get3A_322 = vector.shape_cast %get3A_321 : vector<16xi32> to vector<16xi32>
      %mul3A_323 = arith.constant 6 : i32
      %mul3A_324 = vector.broadcast %mul3A_323 : i32 to vector<16xi32>
      %mul3A_325 = arith.muli %get3A_322, %mul3A_324 : vector<16xi32>
      %get3A_326 = arith.constant 64 : index
      %get3A_327 = tpu.vector_load %arg15[%get3A_326] {strides = array<i32>} : memref<80xi32, #tpu.memory_space<vmem>>, vector<16xi32>,
      %get3A_328 = vector.shape_cast %get3A_327 : vector<16xi32> to vector<16xi32>
      %add3A_329 = arith.addi %mul3A_325, %get3A_328 : vector<16xi32>
      %add3A_330 = vector.broadcast %mul3A_255 : i32 to vector<16xi32>
      %add3A_331 = arith.addi %add3A_329, %add3A_330 : vector<16xi32>
      %swap3A_332 = arith.constant 64 : index
      %swap3A_333 = tpu.vector_load %arg16[%swap3A_332] {strides = array<i32>} : memref<80xi32, #tpu.memory_space<vmem>>, vector<16xi32>,
      %swap3A_334 = vector.shape_cast %swap3A_333 : vector<16xi32> to vector<16xi32>
      %swap3A_335 = vector.shape_cast %add3A_331 : vector<16xi32> to vector<16xi32>
      tpu.vector_store %arg16[%swap3A_332], %swap3A_335 {strides = array<i32>} : memref<80xi32, #tpu.memory_space<vmem>>, vector<16xi32>,
      %ge3A_336 = arith.constant 4 : i32
      %ge3A_337 = arith.cmpi sge, %add3A_229, %ge3A_336 : i32
      %convert_element_type3A_338 = arith.extui %ge3A_337 : i1 to i32
      %cond3A_339 = arith.constant 0 : i32
      %cond3A_340 = arith.cmpi ne, %convert_element_type3A_338, %cond3A_339 : i32
      scf.if %cond3A_340 {
        %sub3A = arith.constant 4 : i32
        %sub3A_617 = arith.subi %add3A_229, %sub3A : i32
        %add3A_618 = arith.constant 143360 : i32
        %add3A_619 = arith.addi %add3A_618, %mul3A_2 : i32
        %mul3A_620 = arith.constant 80 : i32
        %mul3A_621 = arith.muli %sub3A_617, %mul3A_620 : i32
        %add3A_622 = arith.addi %add3A_619, %mul3A_621 : i32
        %multiple_of3A_623 = tpu.assume_multiple %add3A_622, 80 : i32
        %dma_wait3A_624 = arith.constant 0 : i32
        %dma_wait3A_625 = tpu.memref_slice %arg5[%multiple_of3A_623, %dma_wait3A_624] : memref<204800x256xf32, #tpu.memory_space<hbm>> -> memref<80x256xf32, #tpu.memory_space<hbm>>
        %dma_wait3A_626 = arith.constant 0 : i32
        %dma_wait3A_627 = tpu.memref_slice %arg5[%multiple_of3A_623, %dma_wait3A_626] : memref<204800x256xf32, #tpu.memory_space<hbm>> -> memref<80x256xf32, #tpu.memory_space<hbm>>
        tpu.wait_dma2 semaphore(%arg19 : memref<!tpu.dma_semaphore, #tpu.memory_space<semaphore_mem>>) src(%arg17 : memref<80x256xf32, #tpu.memory_space<vmem>>) dst(%dma_wait3A_627 : memref<80x256xf32, #tpu.memory_space<hbm>>)
      } else {
      }
      %dma_start3A_341 = arith.constant 0 : i32
      %dma_start3A_342 = arith.constant 0 : i32
      %dma_start3A_343 = tpu.memref_slice %arg4[%dma_start3A_341, %dma_start3A_342] : memref<1152x256xf32, #tpu.memory_space<hbm>> -> memref<1152x256xf32, #tpu.memory_space<hbm>>
      tpu.enqueue_indirect_dma source(%dma_start3A_343 : memref<1152x256xf32, #tpu.memory_space<hbm>>) target(%arg17 : memref<80x256xf32, #tpu.memory_space<vmem>>) offsets(%arg16 : memref<80xi32, #tpu.memory_space<vmem>>) semaphore(%arg20 : memref<!tpu.dma_semaphore, #tpu.memory_space<semaphore_mem>>)
      %add3A_344 = arith.constant 4 : i32
      %add3A_345 = arith.addi %add3A_229, %add3A_344 : i32
      %lt3A_346 = arith.constant 24 : i32
      %lt3A_347 = arith.cmpi slt, %add3A_345, %lt3A_346 : i32
      %convert_element_type3A_348 = arith.extui %lt3A_347 : i1 to i32
      %cond3A_349 = arith.constant 0 : i32
      %cond3A_350 = arith.cmpi ne, %convert_element_type3A_348, %cond3A_349 : i32
      scf.if %cond3A_350 {
        %add3A_617 = arith.constant 4 : i32
        %add3A_618 = arith.addi %add3A_229, %add3A_617 : i32
        %mul3A_619 = arith.constant 80 : i32
        %mul3A_620 = arith.muli %add3A_618, %mul3A_619 : i32
        %add3A_621 = arith.addi %mul3A_2, %mul3A_620 : i32
        %multiple_of3A_622 = tpu.assume_multiple %add3A_621, 80 : i32
        %dma_start3A_623 = tpu.memref_slice %arg2[%multiple_of3A_622] : memref<61440xi32, #tpu.memory_space<hbm>> -> memref<80xi32, #tpu.memory_space<hbm>>
        %dma_start3A_624 = tpu.memref_slice %arg2[%multiple_of3A_622] : memref<61440xi32, #tpu.memory_space<hbm>> -> memref<80xi32, #tpu.memory_space<hbm>>
        tpu.enqueue_dma source(%dma_start3A_624 : memref<80xi32, #tpu.memory_space<hbm>>) target(%arg14 : memref<80xi32, #tpu.memory_space<vmem>>) target_semaphore(%arg18 : memref<!tpu.dma_semaphore, #tpu.memory_space<semaphore_mem>>)
        %dma_start3A_625 = tpu.memref_slice %arg3[%multiple_of3A_622] : memref<61440xi32, #tpu.memory_space<hbm>> -> memref<80xi32, #tpu.memory_space<hbm>>
        %dma_start3A_626 = tpu.memref_slice %arg3[%multiple_of3A_622] : memref<61440xi32, #tpu.memory_space<hbm>> -> memref<80xi32, #tpu.memory_space<hbm>>
        tpu.enqueue_dma source(%dma_start3A_626 : memref<80xi32, #tpu.memory_space<hbm>>) target(%arg15 : memref<80xi32, #tpu.memory_space<vmem>>) target_semaphore(%arg18 : memref<!tpu.dma_semaphore, #tpu.memory_space<semaphore_mem>>)
      } else {
      }
      %ge3A_351 = arith.constant 3 : i32
      %ge3A_352 = arith.cmpi sge, %add3A_229, %ge3A_351 : i32
      %convert_element_type3A_353 = arith.extui %ge3A_352 : i1 to i32
      %cond3A_354 = arith.constant 0 : i32
      %cond3A_355 = arith.cmpi ne, %convert_element_type3A_353, %cond3A_354 : i32
      scf.if %cond3A_355 {
        %dma_wait3A_617 = arith.constant 0 : i32
        %dma_wait3A_618 = arith.constant 0 : i32
        %dma_wait3A_619 = tpu.memref_slice %arg4[%dma_wait3A_617, %dma_wait3A_618] : memref<1152x256xf32, #tpu.memory_space<hbm>> -> memref<1152x256xf32, #tpu.memory_space<hbm>>
        tpu.wait_indirect_dma semaphore(%arg27 : memref<!tpu.dma_semaphore, #tpu.memory_space<semaphore_mem>>) src(%dma_wait3A_619 : memref<1152x256xf32, #tpu.memory_space<hbm>>) dst(%arg24 : memref<80x256xf32, #tpu.memory_space<vmem>>)
        %sub3A = arith.constant 3 : i32
        %sub3A_620 = arith.subi %add3A_229, %sub3A : i32
        %add3A_621 = arith.constant 143360 : i32
        %add3A_622 = arith.addi %add3A_621, %mul3A_2 : i32
        %mul3A_623 = arith.constant 80 : i32
        %mul3A_624 = arith.muli %sub3A_620, %mul3A_623 : i32
        %add3A_625 = arith.addi %add3A_622, %mul3A_624 : i32
        %multiple_of3A_626 = tpu.assume_multiple %add3A_625, 80 : i32
        %dma_start3A_627 = arith.constant 0 : i32
        %dma_start3A_628 = tpu.memref_slice %arg5[%multiple_of3A_626, %dma_start3A_627] : memref<204800x256xf32, #tpu.memory_space<hbm>> -> memref<80x256xf32, #tpu.memory_space<hbm>>
        %dma_start3A_629 = arith.constant 0 : i32
        %dma_start3A_630 = tpu.memref_slice %arg5[%multiple_of3A_626, %dma_start3A_629] : memref<204800x256xf32, #tpu.memory_space<hbm>> -> memref<80x256xf32, #tpu.memory_space<hbm>>
        tpu.enqueue_dma source(%arg24 : memref<80x256xf32, #tpu.memory_space<vmem>>) target(%dma_start3A_630 : memref<80x256xf32, #tpu.memory_space<hbm>>) target_semaphore(%arg26 : memref<!tpu.dma_semaphore, #tpu.memory_space<semaphore_mem>>)
      } else {
      }
      %mul3A_356 = arith.constant 4 : i32
      %mul3A_357 = arith.muli %scan3A_106, %mul3A_356 : i32
      %add3A_358 = arith.constant 2 : i32
      %add3A_359 = arith.addi %mul3A_357, %add3A_358 : i32
      %mul3A_360 = arith.constant 80 : i32
      %mul3A_361 = arith.muli %add3A_359, %mul3A_360 : i32
      %add3A_362 = arith.addi %mul3A_2, %mul3A_361 : i32
      %multiple_of3A_363 = tpu.assume_multiple %add3A_362, 80 : i32
      %dma_wait3A_364 = tpu.memref_slice %arg2[%multiple_of3A_363] : memref<61440xi32, #tpu.memory_space<hbm>> -> memref<80xi32, #tpu.memory_space<hbm>>
      %dma_wait3A_365 = tpu.memref_slice %arg2[%multiple_of3A_363] : memref<61440xi32, #tpu.memory_space<hbm>> -> memref<80xi32, #tpu.memory_space<hbm>>
      tpu.wait_dma2 semaphore(%arg25 : memref<!tpu.dma_semaphore, #tpu.memory_space<semaphore_mem>>) src(%dma_wait3A_365 : memref<80xi32, #tpu.memory_space<hbm>>) dst(%arg21 : memref<80xi32, #tpu.memory_space<vmem>>)
      %dma_wait3A_366 = tpu.memref_slice %arg3[%multiple_of3A_363] : memref<61440xi32, #tpu.memory_space<hbm>> -> memref<80xi32, #tpu.memory_space<hbm>>
      %dma_wait3A_367 = tpu.memref_slice %arg3[%multiple_of3A_363] : memref<61440xi32, #tpu.memory_space<hbm>> -> memref<80xi32, #tpu.memory_space<hbm>>
      tpu.wait_dma2 semaphore(%arg25 : memref<!tpu.dma_semaphore, #tpu.memory_space<semaphore_mem>>) src(%dma_wait3A_367 : memref<80xi32, #tpu.memory_space<hbm>>) dst(%arg22 : memref<80xi32, #tpu.memory_space<vmem>>)
      %jit3A_368 = arith.constant 32 : i32
      %eq3A_369 = arith.constant 0 : i32
      %eq3A_370 = arith.cmpi eq, %jit3A_368, %eq3A_369 : i32
      %jit3A_371 = arith.constant 1 : i32
      %select_n3A_372 = arith.select %eq3A_370, %jit3A_371, %jit3A_368 : i32
      %rem3A_373 = arith.remsi %add3A, %select_n3A_372 : i32
      %ne3A_374 = arith.constant 0 : i32
      %ne3A_375 = arith.cmpi ne, %rem3A_373, %ne3A_374 : i32
      %lt3A_376 = arith.constant 0 : i32
      %lt3A_377 = arith.cmpi slt, %rem3A_373, %lt3A_376 : i32
      %lt3A_378 = arith.constant 0 : i32
      %lt3A_379 = arith.cmpi slt, %select_n3A_372, %lt3A_378 : i32
      %ne3A_380 = arith.xori %lt3A_377, %lt3A_379 : i1
      %and3A_381 = arith.andi %ne3A_380, %ne3A_375 : i1
      %add3A_382 = arith.addi %rem3A_373, %select_n3A_372 : i32
      %select_n3A_383 = arith.select %and3A_381, %add3A_382, %rem3A_373 : i32
      %mul3A_384 = arith.constant 36 : i32
      %mul3A_385 = arith.muli %select_n3A_383, %mul3A_384 : i32
      %get3A_386 = arith.constant 0 : index
      %get3A_387 = tpu.vector_load %arg21[%get3A_386] {strides = array<i32>} : memref<80xi32, #tpu.memory_space<vmem>>, vector<16xi32>,
      %get3A_388 = vector.shape_cast %get3A_387 : vector<16xi32> to vector<16xi32>
      %mul3A_389 = arith.constant 6 : i32
      %mul3A_390 = vector.broadcast %mul3A_389 : i32 to vector<16xi32>
      %mul3A_391 = arith.muli %get3A_388, %mul3A_390 : vector<16xi32>
      %get3A_392 = arith.constant 0 : index
      %get3A_393 = tpu.vector_load %arg22[%get3A_392] {strides = array<i32>} : memref<80xi32, #tpu.memory_space<vmem>>, vector<16xi32>,
      %get3A_394 = vector.shape_cast %get3A_393 : vector<16xi32> to vector<16xi32>
      %add3A_395 = arith.addi %mul3A_391, %get3A_394 : vector<16xi32>
      %add3A_396 = vector.broadcast %mul3A_385 : i32 to vector<16xi32>
      %add3A_397 = arith.addi %add3A_395, %add3A_396 : vector<16xi32>
      %swap3A_398 = arith.constant 0 : index
      %swap3A_399 = tpu.vector_load %arg23[%swap3A_398] {strides = array<i32>} : memref<80xi32, #tpu.memory_space<vmem>>, vector<16xi32>,
      %swap3A_400 = vector.shape_cast %swap3A_399 : vector<16xi32> to vector<16xi32>
      %swap3A_401 = vector.shape_cast %add3A_397 : vector<16xi32> to vector<16xi32>
      tpu.vector_store %arg23[%swap3A_398], %swap3A_401 {strides = array<i32>} : memref<80xi32, #tpu.memory_space<vmem>>, vector<16xi32>,
      %get3A_402 = arith.constant 16 : index
      %get3A_403 = tpu.vector_load %arg21[%get3A_402] {strides = array<i32>} : memref<80xi32, #tpu.memory_space<vmem>>, vector<16xi32>,
      %get3A_404 = vector.shape_cast %get3A_403 : vector<16xi32> to vector<16xi32>
      %mul3A_405 = arith.constant 6 : i32
      %mul3A_406 = vector.broadcast %mul3A_405 : i32 to vector<16xi32>
      %mul3A_407 = arith.muli %get3A_404, %mul3A_406 : vector<16xi32>
      %get3A_408 = arith.constant 16 : index
      %get3A_409 = tpu.vector_load %arg22[%get3A_408] {strides = array<i32>} : memref<80xi32, #tpu.memory_space<vmem>>, vector<16xi32>,
      %get3A_410 = vector.shape_cast %get3A_409 : vector<16xi32> to vector<16xi32>
      %add3A_411 = arith.addi %mul3A_407, %get3A_410 : vector<16xi32>
      %add3A_412 = vector.broadcast %mul3A_385 : i32 to vector<16xi32>
      %add3A_413 = arith.addi %add3A_411, %add3A_412 : vector<16xi32>
      %swap3A_414 = arith.constant 16 : index
      %swap3A_415 = tpu.vector_load %arg23[%swap3A_414] {strides = array<i32>} : memref<80xi32, #tpu.memory_space<vmem>>, vector<16xi32>,
      %swap3A_416 = vector.shape_cast %swap3A_415 : vector<16xi32> to vector<16xi32>
      %swap3A_417 = vector.shape_cast %add3A_413 : vector<16xi32> to vector<16xi32>
      tpu.vector_store %arg23[%swap3A_414], %swap3A_417 {strides = array<i32>} : memref<80xi32, #tpu.memory_space<vmem>>, vector<16xi32>,
      %get3A_418 = arith.constant 32 : index
      %get3A_419 = tpu.vector_load %arg21[%get3A_418] {strides = array<i32>} : memref<80xi32, #tpu.memory_space<vmem>>, vector<16xi32>,
      %get3A_420 = vector.shape_cast %get3A_419 : vector<16xi32> to vector<16xi32>
      %mul3A_421 = arith.constant 6 : i32
      %mul3A_422 = vector.broadcast %mul3A_421 : i32 to vector<16xi32>
      %mul3A_423 = arith.muli %get3A_420, %mul3A_422 : vector<16xi32>
      %get3A_424 = arith.constant 32 : index
      %get3A_425 = tpu.vector_load %arg22[%get3A_424] {strides = array<i32>} : memref<80xi32, #tpu.memory_space<vmem>>, vector<16xi32>,
      %get3A_426 = vector.shape_cast %get3A_425 : vector<16xi32> to vector<16xi32>
      %add3A_427 = arith.addi %mul3A_423, %get3A_426 : vector<16xi32>
      %add3A_428 = vector.broadcast %mul3A_385 : i32 to vector<16xi32>
      %add3A_429 = arith.addi %add3A_427, %add3A_428 : vector<16xi32>
      %swap3A_430 = arith.constant 32 : index
      %swap3A_431 = tpu.vector_load %arg23[%swap3A_430] {strides = array<i32>} : memref<80xi32, #tpu.memory_space<vmem>>, vector<16xi32>,
      %swap3A_432 = vector.shape_cast %swap3A_431 : vector<16xi32> to vector<16xi32>
      %swap3A_433 = vector.shape_cast %add3A_429 : vector<16xi32> to vector<16xi32>
      tpu.vector_store %arg23[%swap3A_430], %swap3A_433 {strides = array<i32>} : memref<80xi32, #tpu.memory_space<vmem>>, vector<16xi32>,
      %get3A_434 = arith.constant 48 : index
      %get3A_435 = tpu.vector_load %arg21[%get3A_434] {strides = array<i32>} : memref<80xi32, #tpu.memory_space<vmem>>, vector<16xi32>,
      %get3A_436 = vector.shape_cast %get3A_435 : vector<16xi32> to vector<16xi32>
      %mul3A_437 = arith.constant 6 : i32
      %mul3A_438 = vector.broadcast %mul3A_437 : i32 to vector<16xi32>
      %mul3A_439 = arith.muli %get3A_436, %mul3A_438 : vector<16xi32>
      %get3A_440 = arith.constant 48 : index
      %get3A_441 = tpu.vector_load %arg22[%get3A_440] {strides = array<i32>} : memref<80xi32, #tpu.memory_space<vmem>>, vector<16xi32>,
      %get3A_442 = vector.shape_cast %get3A_441 : vector<16xi32> to vector<16xi32>
      %add3A_443 = arith.addi %mul3A_439, %get3A_442 : vector<16xi32>
      %add3A_444 = vector.broadcast %mul3A_385 : i32 to vector<16xi32>
      %add3A_445 = arith.addi %add3A_443, %add3A_444 : vector<16xi32>
      %swap3A_446 = arith.constant 48 : index
      %swap3A_447 = tpu.vector_load %arg23[%swap3A_446] {strides = array<i32>} : memref<80xi32, #tpu.memory_space<vmem>>, vector<16xi32>,
      %swap3A_448 = vector.shape_cast %swap3A_447 : vector<16xi32> to vector<16xi32>
      %swap3A_449 = vector.shape_cast %add3A_445 : vector<16xi32> to vector<16xi32>
      tpu.vector_store %arg23[%swap3A_446], %swap3A_449 {strides = array<i32>} : memref<80xi32, #tpu.memory_space<vmem>>, vector<16xi32>,
      %get3A_450 = arith.constant 64 : index
      %get3A_451 = tpu.vector_load %arg21[%get3A_450] {strides = array<i32>} : memref<80xi32, #tpu.memory_space<vmem>>, vector<16xi32>,
      %get3A_452 = vector.shape_cast %get3A_451 : vector<16xi32> to vector<16xi32>
      %mul3A_453 = arith.constant 6 : i32
      %mul3A_454 = vector.broadcast %mul3A_453 : i32 to vector<16xi32>
      %mul3A_455 = arith.muli %get3A_452, %mul3A_454 : vector<16xi32>
      %get3A_456 = arith.constant 64 : index
      %get3A_457 = tpu.vector_load %arg22[%get3A_456] {strides = array<i32>} : memref<80xi32, #tpu.memory_space<vmem>>, vector<16xi32>,
      %get3A_458 = vector.shape_cast %get3A_457 : vector<16xi32> to vector<16xi32>
      %add3A_459 = arith.addi %mul3A_455, %get3A_458 : vector<16xi32>
      %add3A_460 = vector.broadcast %mul3A_385 : i32 to vector<16xi32>
      %add3A_461 = arith.addi %add3A_459, %add3A_460 : vector<16xi32>
      %swap3A_462 = arith.constant 64 : index
      %swap3A_463 = tpu.vector_load %arg23[%swap3A_462] {strides = array<i32>} : memref<80xi32, #tpu.memory_space<vmem>>, vector<16xi32>,
      %swap3A_464 = vector.shape_cast %swap3A_463 : vector<16xi32> to vector<16xi32>
      %swap3A_465 = vector.shape_cast %add3A_461 : vector<16xi32> to vector<16xi32>
      tpu.vector_store %arg23[%swap3A_462], %swap3A_465 {strides = array<i32>} : memref<80xi32, #tpu.memory_space<vmem>>, vector<16xi32>,
      %ge3A_466 = arith.constant 4 : i32
      %ge3A_467 = arith.cmpi sge, %add3A_359, %ge3A_466 : i32
      %convert_element_type3A_468 = arith.extui %ge3A_467 : i1 to i32
      %cond3A_469 = arith.constant 0 : i32
      %cond3A_470 = arith.cmpi ne, %convert_element_type3A_468, %cond3A_469 : i32
      scf.if %cond3A_470 {
        %sub3A = arith.constant 4 : i32
        %sub3A_617 = arith.subi %add3A_359, %sub3A : i32
        %add3A_618 = arith.constant 143360 : i32
        %add3A_619 = arith.addi %add3A_618, %mul3A_2 : i32
        %mul3A_620 = arith.constant 80 : i32
        %mul3A_621 = arith.muli %sub3A_617, %mul3A_620 : i32
        %add3A_622 = arith.addi %add3A_619, %mul3A_621 : i32
        %multiple_of3A_623 = tpu.assume_multiple %add3A_622, 80 : i32
        %dma_wait3A_624 = arith.constant 0 : i32
        %dma_wait3A_625 = tpu.memref_slice %arg5[%multiple_of3A_623, %dma_wait3A_624] : memref<204800x256xf32, #tpu.memory_space<hbm>> -> memref<80x256xf32, #tpu.memory_space<hbm>>
        %dma_wait3A_626 = arith.constant 0 : i32
        %dma_wait3A_627 = tpu.memref_slice %arg5[%multiple_of3A_623, %dma_wait3A_626] : memref<204800x256xf32, #tpu.memory_space<hbm>> -> memref<80x256xf32, #tpu.memory_space<hbm>>
        tpu.wait_dma2 semaphore(%arg26 : memref<!tpu.dma_semaphore, #tpu.memory_space<semaphore_mem>>) src(%arg24 : memref<80x256xf32, #tpu.memory_space<vmem>>) dst(%dma_wait3A_627 : memref<80x256xf32, #tpu.memory_space<hbm>>)
      } else {
      }
      %dma_start3A_471 = arith.constant 0 : i32
      %dma_start3A_472 = arith.constant 0 : i32
      %dma_start3A_473 = tpu.memref_slice %arg4[%dma_start3A_471, %dma_start3A_472] : memref<1152x256xf32, #tpu.memory_space<hbm>> -> memref<1152x256xf32, #tpu.memory_space<hbm>>
      tpu.enqueue_indirect_dma source(%dma_start3A_473 : memref<1152x256xf32, #tpu.memory_space<hbm>>) target(%arg24 : memref<80x256xf32, #tpu.memory_space<vmem>>) offsets(%arg23 : memref<80xi32, #tpu.memory_space<vmem>>) semaphore(%arg27 : memref<!tpu.dma_semaphore, #tpu.memory_space<semaphore_mem>>)
      %add3A_474 = arith.constant 4 : i32
      %add3A_475 = arith.addi %add3A_359, %add3A_474 : i32
      %lt3A_476 = arith.constant 24 : i32
      %lt3A_477 = arith.cmpi slt, %add3A_475, %lt3A_476 : i32
      %convert_element_type3A_478 = arith.extui %lt3A_477 : i1 to i32
      %cond3A_479 = arith.constant 0 : i32
      %cond3A_480 = arith.cmpi ne, %convert_element_type3A_478, %cond3A_479 : i32
      scf.if %cond3A_480 {
        %add3A_617 = arith.constant 4 : i32
        %add3A_618 = arith.addi %add3A_359, %add3A_617 : i32
        %mul3A_619 = arith.constant 80 : i32
        %mul3A_620 = arith.muli %add3A_618, %mul3A_619 : i32
        %add3A_621 = arith.addi %mul3A_2, %mul3A_620 : i32
        %multiple_of3A_622 = tpu.assume_multiple %add3A_621, 80 : i32
        %dma_start3A_623 = tpu.memref_slice %arg2[%multiple_of3A_622] : memref<61440xi32, #tpu.memory_space<hbm>> -> memref<80xi32, #tpu.memory_space<hbm>>
        %dma_start3A_624 = tpu.memref_slice %arg2[%multiple_of3A_622] : memref<61440xi32, #tpu.memory_space<hbm>> -> memref<80xi32, #tpu.memory_space<hbm>>
        tpu.enqueue_dma source(%dma_start3A_624 : memref<80xi32, #tpu.memory_space<hbm>>) target(%arg21 : memref<80xi32, #tpu.memory_space<vmem>>) target_semaphore(%arg25 : memref<!tpu.dma_semaphore, #tpu.memory_space<semaphore_mem>>)
        %dma_start3A_625 = tpu.memref_slice %arg3[%multiple_of3A_622] : memref<61440xi32, #tpu.memory_space<hbm>> -> memref<80xi32, #tpu.memory_space<hbm>>
        %dma_start3A_626 = tpu.memref_slice %arg3[%multiple_of3A_622] : memref<61440xi32, #tpu.memory_space<hbm>> -> memref<80xi32, #tpu.memory_space<hbm>>
        tpu.enqueue_dma source(%dma_start3A_626 : memref<80xi32, #tpu.memory_space<hbm>>) target(%arg22 : memref<80xi32, #tpu.memory_space<vmem>>) target_semaphore(%arg25 : memref<!tpu.dma_semaphore, #tpu.memory_space<semaphore_mem>>)
      } else {
      }
      %ge3A_481 = arith.constant 3 : i32
      %ge3A_482 = arith.cmpi sge, %add3A_359, %ge3A_481 : i32
      %convert_element_type3A_483 = arith.extui %ge3A_482 : i1 to i32
      %cond3A_484 = arith.constant 0 : i32
      %cond3A_485 = arith.cmpi ne, %convert_element_type3A_483, %cond3A_484 : i32
      scf.if %cond3A_485 {
        %dma_wait3A_617 = arith.constant 0 : i32
        %dma_wait3A_618 = arith.constant 0 : i32
        %dma_wait3A_619 = tpu.memref_slice %arg4[%dma_wait3A_617, %dma_wait3A_618] : memref<1152x256xf32, #tpu.memory_space<hbm>> -> memref<1152x256xf32, #tpu.memory_space<hbm>>
        tpu.wait_indirect_dma semaphore(%arg34 : memref<!tpu.dma_semaphore, #tpu.memory_space<semaphore_mem>>) src(%dma_wait3A_619 : memref<1152x256xf32, #tpu.memory_space<hbm>>) dst(%arg31 : memref<80x256xf32, #tpu.memory_space<vmem>>)
        %sub3A = arith.constant 3 : i32
        %sub3A_620 = arith.subi %add3A_359, %sub3A : i32
        %add3A_621 = arith.constant 143360 : i32
        %add3A_622 = arith.addi %add3A_621, %mul3A_2 : i32
        %mul3A_623 = arith.constant 80 : i32
        %mul3A_624 = arith.muli %sub3A_620, %mul3A_623 : i32
        %add3A_625 = arith.addi %add3A_622, %mul3A_624 : i32
        %multiple_of3A_626 = tpu.assume_multiple %add3A_625, 80 : i32
        %dma_start3A_627 = arith.constant 0 : i32
        %dma_start3A_628 = tpu.memref_slice %arg5[%multiple_of3A_626, %dma_start3A_627] : memref<204800x256xf32, #tpu.memory_space<hbm>> -> memref<80x256xf32, #tpu.memory_space<hbm>>
        %dma_start3A_629 = arith.constant 0 : i32
        %dma_start3A_630 = tpu.memref_slice %arg5[%multiple_of3A_626, %dma_start3A_629] : memref<204800x256xf32, #tpu.memory_space<hbm>> -> memref<80x256xf32, #tpu.memory_space<hbm>>
        tpu.enqueue_dma source(%arg31 : memref<80x256xf32, #tpu.memory_space<vmem>>) target(%dma_start3A_630 : memref<80x256xf32, #tpu.memory_space<hbm>>) target_semaphore(%arg33 : memref<!tpu.dma_semaphore, #tpu.memory_space<semaphore_mem>>)
      } else {
      }
      %mul3A_486 = arith.constant 4 : i32
      %mul3A_487 = arith.muli %scan3A_106, %mul3A_486 : i32
      %add3A_488 = arith.constant 3 : i32
      %add3A_489 = arith.addi %mul3A_487, %add3A_488 : i32
      %mul3A_490 = arith.constant 80 : i32
      %mul3A_491 = arith.muli %add3A_489, %mul3A_490 : i32
      %add3A_492 = arith.addi %mul3A_2, %mul3A_491 : i32
      %multiple_of3A_493 = tpu.assume_multiple %add3A_492, 80 : i32
      %dma_wait3A_494 = tpu.memref_slice %arg2[%multiple_of3A_493] : memref<61440xi32, #tpu.memory_space<hbm>> -> memref<80xi32, #tpu.memory_space<hbm>>
      %dma_wait3A_495 = tpu.memref_slice %arg2[%multiple_of3A_493] : memref<61440xi32, #tpu.memory_space<hbm>> -> memref<80xi32, #tpu.memory_space<hbm>>
      tpu.wait_dma2 semaphore(%arg32 : memref<!tpu.dma_semaphore, #tpu.memory_space<semaphore_mem>>) src(%dma_wait3A_495 : memref<80xi32, #tpu.memory_space<hbm>>) dst(%arg28 : memref<80xi32, #tpu.memory_space<vmem>>)
      %dma_wait3A_496 = tpu.memref_slice %arg3[%multiple_of3A_493] : memref<61440xi32, #tpu.memory_space<hbm>> -> memref<80xi32, #tpu.memory_space<hbm>>
      %dma_wait3A_497 = tpu.memref_slice %arg3[%multiple_of3A_493] : memref<61440xi32, #tpu.memory_space<hbm>> -> memref<80xi32, #tpu.memory_space<hbm>>
      tpu.wait_dma2 semaphore(%arg32 : memref<!tpu.dma_semaphore, #tpu.memory_space<semaphore_mem>>) src(%dma_wait3A_497 : memref<80xi32, #tpu.memory_space<hbm>>) dst(%arg29 : memref<80xi32, #tpu.memory_space<vmem>>)
      %jit3A_498 = arith.constant 32 : i32
      %eq3A_499 = arith.constant 0 : i32
      %eq3A_500 = arith.cmpi eq, %jit3A_498, %eq3A_499 : i32
      %jit3A_501 = arith.constant 1 : i32
      %select_n3A_502 = arith.select %eq3A_500, %jit3A_501, %jit3A_498 : i32
      %rem3A_503 = arith.remsi %add3A, %select_n3A_502 : i32
      %ne3A_504 = arith.constant 0 : i32
      %ne3A_505 = arith.cmpi ne, %rem3A_503, %ne3A_504 : i32
      %lt3A_506 = arith.constant 0 : i32
      %lt3A_507 = arith.cmpi slt, %rem3A_503, %lt3A_506 : i32
      %lt3A_508 = arith.constant 0 : i32
      %lt3A_509 = arith.cmpi slt, %select_n3A_502, %lt3A_508 : i32
      %ne3A_510 = arith.xori %lt3A_507, %lt3A_509 : i1
      %and3A_511 = arith.andi %ne3A_510, %ne3A_505 : i1
      %add3A_512 = arith.addi %rem3A_503, %select_n3A_502 : i32
      %select_n3A_513 = arith.select %and3A_511, %add3A_512, %rem3A_503 : i32
      %mul3A_514 = arith.constant 36 : i32
      %mul3A_515 = arith.muli %select_n3A_513, %mul3A_514 : i32
      %get3A_516 = arith.constant 0 : index
      %get3A_517 = tpu.vector_load %arg28[%get3A_516] {strides = array<i32>} : memref<80xi32, #tpu.memory_space<vmem>>, vector<16xi32>,
      %get3A_518 = vector.shape_cast %get3A_517 : vector<16xi32> to vector<16xi32>
      %mul3A_519 = arith.constant 6 : i32
      %mul3A_520 = vector.broadcast %mul3A_519 : i32 to vector<16xi32>
      %mul3A_521 = arith.muli %get3A_518, %mul3A_520 : vector<16xi32>
      %get3A_522 = arith.constant 0 : index
      %get3A_523 = tpu.vector_load %arg29[%get3A_522] {strides = array<i32>} : memref<80xi32, #tpu.memory_space<vmem>>, vector<16xi32>,
      %get3A_524 = vector.shape_cast %get3A_523 : vector<16xi32> to vector<16xi32>
      %add3A_525 = arith.addi %mul3A_521, %get3A_524 : vector<16xi32>
      %add3A_526 = vector.broadcast %mul3A_515 : i32 to vector<16xi32>
      %add3A_527 = arith.addi %add3A_525, %add3A_526 : vector<16xi32>
      %swap3A_528 = arith.constant 0 : index
      %swap3A_529 = tpu.vector_load %arg30[%swap3A_528] {strides = array<i32>} : memref<80xi32, #tpu.memory_space<vmem>>, vector<16xi32>,
      %swap3A_530 = vector.shape_cast %swap3A_529 : vector<16xi32> to vector<16xi32>
      %swap3A_531 = vector.shape_cast %add3A_527 : vector<16xi32> to vector<16xi32>
      tpu.vector_store %arg30[%swap3A_528], %swap3A_531 {strides = array<i32>} : memref<80xi32, #tpu.memory_space<vmem>>, vector<16xi32>,
      %get3A_532 = arith.constant 16 : index
      %get3A_533 = tpu.vector_load %arg28[%get3A_532] {strides = array<i32>} : memref<80xi32, #tpu.memory_space<vmem>>, vector<16xi32>,
      %get3A_534 = vector.shape_cast %get3A_533 : vector<16xi32> to vector<16xi32>
      %mul3A_535 = arith.constant 6 : i32
      %mul3A_536 = vector.broadcast %mul3A_535 : i32 to vector<16xi32>
      %mul3A_537 = arith.muli %get3A_534, %mul3A_536 : vector<16xi32>
      %get3A_538 = arith.constant 16 : index
      %get3A_539 = tpu.vector_load %arg29[%get3A_538] {strides = array<i32>} : memref<80xi32, #tpu.memory_space<vmem>>, vector<16xi32>,
      %get3A_540 = vector.shape_cast %get3A_539 : vector<16xi32> to vector<16xi32>
      %add3A_541 = arith.addi %mul3A_537, %get3A_540 : vector<16xi32>
      %add3A_542 = vector.broadcast %mul3A_515 : i32 to vector<16xi32>
      %add3A_543 = arith.addi %add3A_541, %add3A_542 : vector<16xi32>
      %swap3A_544 = arith.constant 16 : index
      %swap3A_545 = tpu.vector_load %arg30[%swap3A_544] {strides = array<i32>} : memref<80xi32, #tpu.memory_space<vmem>>, vector<16xi32>,
      %swap3A_546 = vector.shape_cast %swap3A_545 : vector<16xi32> to vector<16xi32>
      %swap3A_547 = vector.shape_cast %add3A_543 : vector<16xi32> to vector<16xi32>
      tpu.vector_store %arg30[%swap3A_544], %swap3A_547 {strides = array<i32>} : memref<80xi32, #tpu.memory_space<vmem>>, vector<16xi32>,
      %get3A_548 = arith.constant 32 : index
      %get3A_549 = tpu.vector_load %arg28[%get3A_548] {strides = array<i32>} : memref<80xi32, #tpu.memory_space<vmem>>, vector<16xi32>,
      %get3A_550 = vector.shape_cast %get3A_549 : vector<16xi32> to vector<16xi32>
      %mul3A_551 = arith.constant 6 : i32
      %mul3A_552 = vector.broadcast %mul3A_551 : i32 to vector<16xi32>
      %mul3A_553 = arith.muli %get3A_550, %mul3A_552 : vector<16xi32>
      %get3A_554 = arith.constant 32 : index
      %get3A_555 = tpu.vector_load %arg29[%get3A_554] {strides = array<i32>} : memref<80xi32, #tpu.memory_space<vmem>>, vector<16xi32>,
      %get3A_556 = vector.shape_cast %get3A_555 : vector<16xi32> to vector<16xi32>
      %add3A_557 = arith.addi %mul3A_553, %get3A_556 : vector<16xi32>
      %add3A_558 = vector.broadcast %mul3A_515 : i32 to vector<16xi32>
      %add3A_559 = arith.addi %add3A_557, %add3A_558 : vector<16xi32>
      %swap3A_560 = arith.constant 32 : index
      %swap3A_561 = tpu.vector_load %arg30[%swap3A_560] {strides = array<i32>} : memref<80xi32, #tpu.memory_space<vmem>>, vector<16xi32>,
      %swap3A_562 = vector.shape_cast %swap3A_561 : vector<16xi32> to vector<16xi32>
      %swap3A_563 = vector.shape_cast %add3A_559 : vector<16xi32> to vector<16xi32>
      tpu.vector_store %arg30[%swap3A_560], %swap3A_563 {strides = array<i32>} : memref<80xi32, #tpu.memory_space<vmem>>, vector<16xi32>,
      %get3A_564 = arith.constant 48 : index
      %get3A_565 = tpu.vector_load %arg28[%get3A_564] {strides = array<i32>} : memref<80xi32, #tpu.memory_space<vmem>>, vector<16xi32>,
      %get3A_566 = vector.shape_cast %get3A_565 : vector<16xi32> to vector<16xi32>
      %mul3A_567 = arith.constant 6 : i32
      %mul3A_568 = vector.broadcast %mul3A_567 : i32 to vector<16xi32>
      %mul3A_569 = arith.muli %get3A_566, %mul3A_568 : vector<16xi32>
      %get3A_570 = arith.constant 48 : index
      %get3A_571 = tpu.vector_load %arg29[%get3A_570] {strides = array<i32>} : memref<80xi32, #tpu.memory_space<vmem>>, vector<16xi32>,
      %get3A_572 = vector.shape_cast %get3A_571 : vector<16xi32> to vector<16xi32>
      %add3A_573 = arith.addi %mul3A_569, %get3A_572 : vector<16xi32>
      %add3A_574 = vector.broadcast %mul3A_515 : i32 to vector<16xi32>
      %add3A_575 = arith.addi %add3A_573, %add3A_574 : vector<16xi32>
      %swap3A_576 = arith.constant 48 : index
      %swap3A_577 = tpu.vector_load %arg30[%swap3A_576] {strides = array<i32>} : memref<80xi32, #tpu.memory_space<vmem>>, vector<16xi32>,
      %swap3A_578 = vector.shape_cast %swap3A_577 : vector<16xi32> to vector<16xi32>
      %swap3A_579 = vector.shape_cast %add3A_575 : vector<16xi32> to vector<16xi32>
      tpu.vector_store %arg30[%swap3A_576], %swap3A_579 {strides = array<i32>} : memref<80xi32, #tpu.memory_space<vmem>>, vector<16xi32>,
      %get3A_580 = arith.constant 64 : index
      %get3A_581 = tpu.vector_load %arg28[%get3A_580] {strides = array<i32>} : memref<80xi32, #tpu.memory_space<vmem>>, vector<16xi32>,
      %get3A_582 = vector.shape_cast %get3A_581 : vector<16xi32> to vector<16xi32>
      %mul3A_583 = arith.constant 6 : i32
      %mul3A_584 = vector.broadcast %mul3A_583 : i32 to vector<16xi32>
      %mul3A_585 = arith.muli %get3A_582, %mul3A_584 : vector<16xi32>
      %get3A_586 = arith.constant 64 : index
      %get3A_587 = tpu.vector_load %arg29[%get3A_586] {strides = array<i32>} : memref<80xi32, #tpu.memory_space<vmem>>, vector<16xi32>,
      %get3A_588 = vector.shape_cast %get3A_587 : vector<16xi32> to vector<16xi32>
      %add3A_589 = arith.addi %mul3A_585, %get3A_588 : vector<16xi32>
      %add3A_590 = vector.broadcast %mul3A_515 : i32 to vector<16xi32>
      %add3A_591 = arith.addi %add3A_589, %add3A_590 : vector<16xi32>
      %swap3A_592 = arith.constant 64 : index
      %swap3A_593 = tpu.vector_load %arg30[%swap3A_592] {strides = array<i32>} : memref<80xi32, #tpu.memory_space<vmem>>, vector<16xi32>,
      %swap3A_594 = vector.shape_cast %swap3A_593 : vector<16xi32> to vector<16xi32>
      %swap3A_595 = vector.shape_cast %add3A_591 : vector<16xi32> to vector<16xi32>
      tpu.vector_store %arg30[%swap3A_592], %swap3A_595 {strides = array<i32>} : memref<80xi32, #tpu.memory_space<vmem>>, vector<16xi32>,
      %ge3A_596 = arith.constant 4 : i32
      %ge3A_597 = arith.cmpi sge, %add3A_489, %ge3A_596 : i32
      %convert_element_type3A_598 = arith.extui %ge3A_597 : i1 to i32
      %cond3A_599 = arith.constant 0 : i32
      %cond3A_600 = arith.cmpi ne, %convert_element_type3A_598, %cond3A_599 : i32
      scf.if %cond3A_600 {
        %sub3A = arith.constant 4 : i32
        %sub3A_617 = arith.subi %add3A_489, %sub3A : i32
        %add3A_618 = arith.constant 143360 : i32
        %add3A_619 = arith.addi %add3A_618, %mul3A_2 : i32
        %mul3A_620 = arith.constant 80 : i32
        %mul3A_621 = arith.muli %sub3A_617, %mul3A_620 : i32
        %add3A_622 = arith.addi %add3A_619, %mul3A_621 : i32
        %multiple_of3A_623 = tpu.assume_multiple %add3A_622, 80 : i32
        %dma_wait3A_624 = arith.constant 0 : i32
        %dma_wait3A_625 = tpu.memref_slice %arg5[%multiple_of3A_623, %dma_wait3A_624] : memref<204800x256xf32, #tpu.memory_space<hbm>> -> memref<80x256xf32, #tpu.memory_space<hbm>>
        %dma_wait3A_626 = arith.constant 0 : i32
        %dma_wait3A_627 = tpu.memref_slice %arg5[%multiple_of3A_623, %dma_wait3A_626] : memref<204800x256xf32, #tpu.memory_space<hbm>> -> memref<80x256xf32, #tpu.memory_space<hbm>>
        tpu.wait_dma2 semaphore(%arg33 : memref<!tpu.dma_semaphore, #tpu.memory_space<semaphore_mem>>) src(%arg31 : memref<80x256xf32, #tpu.memory_space<vmem>>) dst(%dma_wait3A_627 : memref<80x256xf32, #tpu.memory_space<hbm>>)
      } else {
      }
      %dma_start3A_601 = arith.constant 0 : i32
      %dma_start3A_602 = arith.constant 0 : i32
      %dma_start3A_603 = tpu.memref_slice %arg4[%dma_start3A_601, %dma_start3A_602] : memref<1152x256xf32, #tpu.memory_space<hbm>> -> memref<1152x256xf32, #tpu.memory_space<hbm>>
      tpu.enqueue_indirect_dma source(%dma_start3A_603 : memref<1152x256xf32, #tpu.memory_space<hbm>>) target(%arg31 : memref<80x256xf32, #tpu.memory_space<vmem>>) offsets(%arg30 : memref<80xi32, #tpu.memory_space<vmem>>) semaphore(%arg34 : memref<!tpu.dma_semaphore, #tpu.memory_space<semaphore_mem>>)
      %add3A_604 = arith.constant 4 : i32
      %add3A_605 = arith.addi %add3A_489, %add3A_604 : i32
      %lt3A_606 = arith.constant 24 : i32
      %lt3A_607 = arith.cmpi slt, %add3A_605, %lt3A_606 : i32
      %convert_element_type3A_608 = arith.extui %lt3A_607 : i1 to i32
      %cond3A_609 = arith.constant 0 : i32
      %cond3A_610 = arith.cmpi ne, %convert_element_type3A_608, %cond3A_609 : i32
      scf.if %cond3A_610 {
        %add3A_617 = arith.constant 4 : i32
        %add3A_618 = arith.addi %add3A_489, %add3A_617 : i32
        %mul3A_619 = arith.constant 80 : i32
        %mul3A_620 = arith.muli %add3A_618, %mul3A_619 : i32
        %add3A_621 = arith.addi %mul3A_2, %mul3A_620 : i32
        %multiple_of3A_622 = tpu.assume_multiple %add3A_621, 80 : i32
        %dma_start3A_623 = tpu.memref_slice %arg2[%multiple_of3A_622] : memref<61440xi32, #tpu.memory_space<hbm>> -> memref<80xi32, #tpu.memory_space<hbm>>
        %dma_start3A_624 = tpu.memref_slice %arg2[%multiple_of3A_622] : memref<61440xi32, #tpu.memory_space<hbm>> -> memref<80xi32, #tpu.memory_space<hbm>>
        tpu.enqueue_dma source(%dma_start3A_624 : memref<80xi32, #tpu.memory_space<hbm>>) target(%arg28 : memref<80xi32, #tpu.memory_space<vmem>>) target_semaphore(%arg32 : memref<!tpu.dma_semaphore, #tpu.memory_space<semaphore_mem>>)
        %dma_start3A_625 = tpu.memref_slice %arg3[%multiple_of3A_622] : memref<61440xi32, #tpu.memory_space<hbm>> -> memref<80xi32, #tpu.memory_space<hbm>>
        %dma_start3A_626 = tpu.memref_slice %arg3[%multiple_of3A_622] : memref<61440xi32, #tpu.memory_space<hbm>> -> memref<80xi32, #tpu.memory_space<hbm>>
        tpu.enqueue_dma source(%dma_start3A_626 : memref<80xi32, #tpu.memory_space<hbm>>) target(%arg29 : memref<80xi32, #tpu.memory_space<vmem>>) target_semaphore(%arg32 : memref<!tpu.dma_semaphore, #tpu.memory_space<semaphore_mem>>)
      } else {
      }
      %ge3A_611 = arith.constant 3 : i32
      %ge3A_612 = arith.cmpi sge, %add3A_489, %ge3A_611 : i32
      %convert_element_type3A_613 = arith.extui %ge3A_612 : i1 to i32
      %cond3A_614 = arith.constant 0 : i32
      %cond3A_615 = arith.cmpi ne, %convert_element_type3A_613, %cond3A_614 : i32
      scf.if %cond3A_615 {
        %dma_wait3A_617 = arith.constant 0 : i32
        %dma_wait3A_618 = arith.constant 0 : i32
        %dma_wait3A_619 = tpu.memref_slice %arg4[%dma_wait3A_617, %dma_wait3A_618] : memref<1152x256xf32, #tpu.memory_space<hbm>> -> memref<1152x256xf32, #tpu.memory_space<hbm>>
        tpu.wait_indirect_dma semaphore(%arg13 : memref<!tpu.dma_semaphore, #tpu.memory_space<semaphore_mem>>) src(%dma_wait3A_619 : memref<1152x256xf32, #tpu.memory_space<hbm>>) dst(%arg10 : memref<80x256xf32, #tpu.memory_space<vmem>>)
        %sub3A = arith.constant 3 : i32
        %sub3A_620 = arith.subi %add3A_489, %sub3A : i32
        %add3A_621 = arith.constant 143360 : i32
        %add3A_622 = arith.addi %add3A_621, %mul3A_2 : i32
        %mul3A_623 = arith.constant 80 : i32
        %mul3A_624 = arith.muli %sub3A_620, %mul3A_623 : i32
        %add3A_625 = arith.addi %add3A_622, %mul3A_624 : i32
        %multiple_of3A_626 = tpu.assume_multiple %add3A_625, 80 : i32
        %dma_start3A_627 = arith.constant 0 : i32
        %dma_start3A_628 = tpu.memref_slice %arg5[%multiple_of3A_626, %dma_start3A_627] : memref<204800x256xf32, #tpu.memory_space<hbm>> -> memref<80x256xf32, #tpu.memory_space<hbm>>
        %dma_start3A_629 = arith.constant 0 : i32
        %dma_start3A_630 = tpu.memref_slice %arg5[%multiple_of3A_626, %dma_start3A_629] : memref<204800x256xf32, #tpu.memory_space<hbm>> -> memref<80x256xf32, #tpu.memory_space<hbm>>
        tpu.enqueue_dma source(%arg10 : memref<80x256xf32, #tpu.memory_space<vmem>>) target(%dma_start3A_630 : memref<80x256xf32, #tpu.memory_space<hbm>>) target_semaphore(%arg12 : memref<!tpu.dma_semaphore, #tpu.memory_space<semaphore_mem>>)
      } else {
      }
      %scan3A_616 = arith.constant 0 : i32
      scf.yield %scan3A_616 : i32
    }
    %scan3A_34 = arith.constant 6 : i32
    %dma_wait3A = arith.constant 0 : i32
    %dma_wait3A_35 = arith.constant 0 : i32
    %dma_wait3A_36 = tpu.memref_slice %arg4[%dma_wait3A, %dma_wait3A_35] : memref<1152x256xf32, #tpu.memory_space<hbm>> -> memref<1152x256xf32, #tpu.memory_space<hbm>>
    tpu.wait_indirect_dma semaphore(%arg20 : memref<!tpu.dma_semaphore, #tpu.memory_space<semaphore_mem>>) src(%dma_wait3A_36 : memref<1152x256xf32, #tpu.memory_space<hbm>>) dst(%arg17 : memref<80x256xf32, #tpu.memory_space<vmem>>)
    %add3A_37 = arith.constant 143360 : i32
    %add3A_38 = arith.addi %add3A_37, %mul3A_2 : i32
    %add3A_39 = arith.constant 1680 : i32
    %add3A_40 = arith.addi %add3A_38, %add3A_39 : i32
    %multiple_of3A_41 = tpu.assume_multiple %add3A_40, 80 : i32
    %dma_start3A_42 = arith.constant 0 : i32
    %dma_start3A_43 = tpu.memref_slice %arg5[%multiple_of3A_41, %dma_start3A_42] : memref<204800x256xf32, #tpu.memory_space<hbm>> -> memref<80x256xf32, #tpu.memory_space<hbm>>
    %dma_start3A_44 = arith.constant 0 : i32
    %dma_start3A_45 = tpu.memref_slice %arg5[%multiple_of3A_41, %dma_start3A_44] : memref<204800x256xf32, #tpu.memory_space<hbm>> -> memref<80x256xf32, #tpu.memory_space<hbm>>
    tpu.enqueue_dma source(%arg17 : memref<80x256xf32, #tpu.memory_space<vmem>>) target(%dma_start3A_45 : memref<80x256xf32, #tpu.memory_space<hbm>>) target_semaphore(%arg19 : memref<!tpu.dma_semaphore, #tpu.memory_space<semaphore_mem>>)
    %dma_wait3A_46 = arith.constant 0 : i32
    %dma_wait3A_47 = arith.constant 0 : i32
    %dma_wait3A_48 = tpu.memref_slice %arg4[%dma_wait3A_46, %dma_wait3A_47] : memref<1152x256xf32, #tpu.memory_space<hbm>> -> memref<1152x256xf32, #tpu.memory_space<hbm>>
    tpu.wait_indirect_dma semaphore(%arg27 : memref<!tpu.dma_semaphore, #tpu.memory_space<semaphore_mem>>) src(%dma_wait3A_48 : memref<1152x256xf32, #tpu.memory_space<hbm>>) dst(%arg24 : memref<80x256xf32, #tpu.memory_space<vmem>>)
    %add3A_49 = arith.constant 143360 : i32
    %add3A_50 = arith.addi %add3A_49, %mul3A_2 : i32
    %add3A_51 = arith.constant 1760 : i32
    %add3A_52 = arith.addi %add3A_50, %add3A_51 : i32
    %multiple_of3A_53 = tpu.assume_multiple %add3A_52, 80 : i32
    %dma_start3A_54 = arith.constant 0 : i32
    %dma_start3A_55 = tpu.memref_slice %arg5[%multiple_of3A_53, %dma_start3A_54] : memref<204800x256xf32, #tpu.memory_space<hbm>> -> memref<80x256xf32, #tpu.memory_space<hbm>>
    %dma_start3A_56 = arith.constant 0 : i32
    %dma_start3A_57 = tpu.memref_slice %arg5[%multiple_of3A_53, %dma_start3A_56] : memref<204800x256xf32, #tpu.memory_space<hbm>> -> memref<80x256xf32, #tpu.memory_space<hbm>>
    tpu.enqueue_dma source(%arg24 : memref<80x256xf32, #tpu.memory_space<vmem>>) target(%dma_start3A_57 : memref<80x256xf32, #tpu.memory_space<hbm>>) target_semaphore(%arg26 : memref<!tpu.dma_semaphore, #tpu.memory_space<semaphore_mem>>)
    %dma_wait3A_58 = arith.constant 0 : i32
    %dma_wait3A_59 = arith.constant 0 : i32
    %dma_wait3A_60 = tpu.memref_slice %arg4[%dma_wait3A_58, %dma_wait3A_59] : memref<1152x256xf32, #tpu.memory_space<hbm>> -> memref<1152x256xf32, #tpu.memory_space<hbm>>
    tpu.wait_indirect_dma semaphore(%arg34 : memref<!tpu.dma_semaphore, #tpu.memory_space<semaphore_mem>>) src(%dma_wait3A_60 : memref<1152x256xf32, #tpu.memory_space<hbm>>) dst(%arg31 : memref<80x256xf32, #tpu.memory_space<vmem>>)
    %add3A_61 = arith.constant 143360 : i32
    %add3A_62 = arith.addi %add3A_61, %mul3A_2 : i32
    %add3A_63 = arith.constant 1840 : i32
    %add3A_64 = arith.addi %add3A_62, %add3A_63 : i32
    %multiple_of3A_65 = tpu.assume_multiple %add3A_64, 80 : i32
    %dma_start3A_66 = arith.constant 0 : i32
    %dma_start3A_67 = tpu.memref_slice %arg5[%multiple_of3A_65, %dma_start3A_66] : memref<204800x256xf32, #tpu.memory_space<hbm>> -> memref<80x256xf32, #tpu.memory_space<hbm>>
    %dma_start3A_68 = arith.constant 0 : i32
    %dma_start3A_69 = tpu.memref_slice %arg5[%multiple_of3A_65, %dma_start3A_68] : memref<204800x256xf32, #tpu.memory_space<hbm>> -> memref<80x256xf32, #tpu.memory_space<hbm>>
    tpu.enqueue_dma source(%arg31 : memref<80x256xf32, #tpu.memory_space<vmem>>) target(%dma_start3A_69 : memref<80x256xf32, #tpu.memory_space<hbm>>) target_semaphore(%arg33 : memref<!tpu.dma_semaphore, #tpu.memory_space<semaphore_mem>>)
    %add3A_70 = arith.constant 143360 : i32
    %add3A_71 = arith.addi %add3A_70, %mul3A_2 : i32
    %add3A_72 = arith.constant 1600 : i32
    %add3A_73 = arith.addi %add3A_71, %add3A_72 : i32
    %multiple_of3A_74 = tpu.assume_multiple %add3A_73, 80 : i32
    %dma_wait3A_75 = arith.constant 0 : i32
    %dma_wait3A_76 = tpu.memref_slice %arg5[%multiple_of3A_74, %dma_wait3A_75] : memref<204800x256xf32, #tpu.memory_space<hbm>> -> memref<80x256xf32, #tpu.memory_space<hbm>>
    %dma_wait3A_77 = arith.constant 0 : i32
    %dma_wait3A_78 = tpu.memref_slice %arg5[%multiple_of3A_74, %dma_wait3A_77] : memref<204800x256xf32, #tpu.memory_space<hbm>> -> memref<80x256xf32, #tpu.memory_space<hbm>>
    tpu.wait_dma2 semaphore(%arg12 : memref<!tpu.dma_semaphore, #tpu.memory_space<semaphore_mem>>) src(%arg10 : memref<80x256xf32, #tpu.memory_space<vmem>>) dst(%dma_wait3A_78 : memref<80x256xf32, #tpu.memory_space<hbm>>)
    %add3A_79 = arith.constant 143360 : i32
    %add3A_80 = arith.addi %add3A_79, %mul3A_2 : i32
    %add3A_81 = arith.constant 1680 : i32
    %add3A_82 = arith.addi %add3A_80, %add3A_81 : i32
    %multiple_of3A_83 = tpu.assume_multiple %add3A_82, 80 : i32
    %dma_wait3A_84 = arith.constant 0 : i32
    %dma_wait3A_85 = tpu.memref_slice %arg5[%multiple_of3A_83, %dma_wait3A_84] : memref<204800x256xf32, #tpu.memory_space<hbm>> -> memref<80x256xf32, #tpu.memory_space<hbm>>
    %dma_wait3A_86 = arith.constant 0 : i32
    %dma_wait3A_87 = tpu.memref_slice %arg5[%multiple_of3A_83, %dma_wait3A_86] : memref<204800x256xf32, #tpu.memory_space<hbm>> -> memref<80x256xf32, #tpu.memory_space<hbm>>
    tpu.wait_dma2 semaphore(%arg19 : memref<!tpu.dma_semaphore, #tpu.memory_space<semaphore_mem>>) src(%arg17 : memref<80x256xf32, #tpu.memory_space<vmem>>) dst(%dma_wait3A_87 : memref<80x256xf32, #tpu.memory_space<hbm>>)
    %add3A_88 = arith.constant 143360 : i32
    %add3A_89 = arith.addi %add3A_88, %mul3A_2 : i32
    %add3A_90 = arith.constant 1760 : i32
    %add3A_91 = arith.addi %add3A_89, %add3A_90 : i32
    %multiple_of3A_92 = tpu.assume_multiple %add3A_91, 80 : i32
    %dma_wait3A_93 = arith.constant 0 : i32
    %dma_wait3A_94 = tpu.memref_slice %arg5[%multiple_of3A_92, %dma_wait3A_93] : memref<204800x256xf32, #tpu.memory_space<hbm>> -> memref<80x256xf32, #tpu.memory_space<hbm>>
    %dma_wait3A_95 = arith.constant 0 : i32
    %dma_wait3A_96 = tpu.memref_slice %arg5[%multiple_of3A_92, %dma_wait3A_95] : memref<204800x256xf32, #tpu.memory_space<hbm>> -> memref<80x256xf32, #tpu.memory_space<hbm>>
    tpu.wait_dma2 semaphore(%arg26 : memref<!tpu.dma_semaphore, #tpu.memory_space<semaphore_mem>>) src(%arg24 : memref<80x256xf32, #tpu.memory_space<vmem>>) dst(%dma_wait3A_96 : memref<80x256xf32, #tpu.memory_space<hbm>>)
    %add3A_97 = arith.constant 143360 : i32
    %add3A_98 = arith.addi %add3A_97, %mul3A_2 : i32
    %add3A_99 = arith.constant 1840 : i32
    %add3A_100 = arith.addi %add3A_98, %add3A_99 : i32
    %multiple_of3A_101 = tpu.assume_multiple %add3A_100, 80 : i32
    %dma_wait3A_102 = arith.constant 0 : i32
    %dma_wait3A_103 = tpu.memref_slice %arg5[%multiple_of3A_101, %dma_wait3A_102] : memref<204800x256xf32, #tpu.memory_space<hbm>> -> memref<80x256xf32, #tpu.memory_space<hbm>>
    %dma_wait3A_104 = arith.constant 0 : i32
    %dma_wait3A_105 = tpu.memref_slice %arg5[%multiple_of3A_101, %dma_wait3A_104] : memref<204800x256xf32, #tpu.memory_space<hbm>> -> memref<80x256xf32, #tpu.memory_space<hbm>>
    tpu.wait_dma2 semaphore(%arg33 : memref<!tpu.dma_semaphore, #tpu.memory_space<semaphore_mem>>) src(%arg31 : memref<80x256xf32, #tpu.memory_space<vmem>>) dst(%dma_wait3A_105 : memref<80x256xf32, #tpu.memory_space<hbm>>)
    return
  }
}

module attributes {stable_mosaic.version = 14 : i64} {
  func.func @_fuse_tables_body(%arg0: memref<6x128xf32, #tpu.memory_space<vmem>>, %arg1: memref<6x128xf32, #tpu.memory_space<vmem>>, %arg2: memref<1152x256xf32, #tpu.memory_space<vmem>>) attributes {dimension_semantics = [], scalar_prefetch = 0 : i64, scratch_operands = 0 : i64, tpu.core_type = #tpu.core_type<tc>} {
    %iota3A = tpu.iota {dimensions = array<i32: 0>} : vector<1152x6xi32>
    %jit3A = arith.constant 36 : i32
    %eq3A = arith.constant 0 : i32
    %eq3A_0 = arith.cmpi eq, %jit3A, %eq3A : i32
    %jit3A_1 = arith.constant 1 : i32
    %select_n3A = arith.select %eq3A_0, %jit3A_1, %jit3A : i32
    %rem3A = vector.broadcast %select_n3A : i32 to vector<1152x6xi32>
    %rem3A_2 = arith.remsi %iota3A, %rem3A : vector<1152x6xi32>
    %ne3A = arith.constant 0 : i32
    %ne3A_3 = vector.broadcast %ne3A : i32 to vector<1152x6xi32>
    %ne3A_4 = arith.cmpi ne, %rem3A_2, %ne3A_3 : vector<1152x6xi32>
    %lt3A = arith.constant 0 : i32
    %lt3A_5 = vector.broadcast %lt3A : i32 to vector<1152x6xi32>
    %lt3A_6 = arith.cmpi slt, %rem3A_2, %lt3A_5 : vector<1152x6xi32>
    %lt3A_7 = arith.constant 0 : i32
    %lt3A_8 = arith.cmpi slt, %select_n3A, %lt3A_7 : i32
    %ne3A_9 = vector.broadcast %lt3A_8 : i1 to vector<1152x6xi1>
    %ne3A_10 = vector.broadcast %ne3A_9 : vector<1152x6xi1> to vector<1152x6xi1>
    %ne3A_11 = arith.xori %lt3A_6, %ne3A_10 : vector<1152x6xi1>
    %and3A = arith.andi %ne3A_11, %ne3A_4 : vector<1152x6xi1>
    %add3A = vector.broadcast %select_n3A : i32 to vector<1152x6xi32>
    %add3A_12 = arith.addi %rem3A_2, %add3A : vector<1152x6xi32>
    %select_n3A_13 = arith.select %and3A, %add3A_12, %rem3A_2 : vector<1152x6xi1>, vector<1152x6xi32>
    %iota3A_14 = tpu.iota {dimensions = array<i32: 1>} : vector<1152x6xi32>
    %jit3A_15 = arith.constant 6 : i32
    %div3A = vector.broadcast %jit3A_15 : i32 to vector<1152x6xi32>
    %div3A_16 = arith.divsi %select_n3A_13, %div3A : vector<1152x6xi32>
    %sign3A = arith.constant 0 : i32
    %sign3A_17 = vector.broadcast %sign3A : i32 to vector<1152x6xi32>
    %sign3A_18 = arith.cmpi sgt, %select_n3A_13, %sign3A_17 : vector<1152x6xi32>
    %sign3A_19 = arith.extui %sign3A_18 : vector<1152x6xi1> to vector<1152x6xi32>
    %sign3A_20 = arith.constant 0 : i32
    %sign3A_21 = vector.broadcast %sign3A_20 : i32 to vector<1152x6xi32>
    %sign3A_22 = arith.cmpi slt, %select_n3A_13, %sign3A_21 : vector<1152x6xi32>
    %sign3A_23 = arith.extui %sign3A_22 : vector<1152x6xi1> to vector<1152x6xi32>
    %sign3A_24 = arith.subi %sign3A_19, %sign3A_23 : vector<1152x6xi32>
    %sign3A_25 = arith.constant 0 : i32
    %sign3A_26 = arith.cmpi sgt, %jit3A_15, %sign3A_25 : i32
    %sign3A_27 = arith.extui %sign3A_26 : i1 to i32
    %sign3A_28 = arith.constant 0 : i32
    %sign3A_29 = arith.cmpi slt, %jit3A_15, %sign3A_28 : i32
    %sign3A_30 = arith.extui %sign3A_29 : i1 to i32
    %sign3A_31 = arith.subi %sign3A_27, %sign3A_30 : i32
    %ne3A_32 = vector.broadcast %sign3A_31 : i32 to vector<1152x6xi32>
    %ne3A_33 = arith.cmpi ne, %sign3A_24, %ne3A_32 : vector<1152x6xi32>
    %rem3A_34 = vector.broadcast %jit3A_15 : i32 to vector<1152x6xi32>
    %rem3A_35 = arith.remsi %select_n3A_13, %rem3A_34 : vector<1152x6xi32>
    %ne3A_36 = arith.constant 0 : i32
    %ne3A_37 = vector.broadcast %ne3A_36 : i32 to vector<1152x6xi32>
    %ne3A_38 = arith.cmpi ne, %rem3A_35, %ne3A_37 : vector<1152x6xi32>
    %and3A_39 = arith.andi %ne3A_33, %ne3A_38 : vector<1152x6xi1>
    %sub3A = arith.constant 1 : i32
    %sub3A_40 = vector.broadcast %sub3A : i32 to vector<1152x6xi32>
    %sub3A_41 = arith.subi %div3A_16, %sub3A_40 : vector<1152x6xi32>
    %select_n3A_42 = arith.select %and3A_39, %sub3A_41, %div3A_16 : vector<1152x6xi1>, vector<1152x6xi32>
    %eq3A_43 = arith.cmpi eq, %select_n3A_42, %iota3A_14 : vector<1152x6xi32>
    %convert_element_type3A = arith.extui %eq3A_43 : vector<1152x6xi1> to vector<1152x6xi32>
    %convert_element_type3A_44 = arith.sitofp %convert_element_type3A : vector<1152x6xi32> to vector<1152x6xf32>
    %jit3A_45 = arith.constant 6 : i32
    %eq3A_46 = arith.constant 0 : i32
    %eq3A_47 = arith.cmpi eq, %jit3A_45, %eq3A_46 : i32
    %jit3A_48 = arith.constant 1 : i32
    %select_n3A_49 = arith.select %eq3A_47, %jit3A_48, %jit3A_45 : i32
    %rem3A_50 = vector.broadcast %select_n3A_49 : i32 to vector<1152x6xi32>
    %rem3A_51 = arith.remsi %select_n3A_13, %rem3A_50 : vector<1152x6xi32>
    %ne3A_52 = arith.constant 0 : i32
    %ne3A_53 = vector.broadcast %ne3A_52 : i32 to vector<1152x6xi32>
    %ne3A_54 = arith.cmpi ne, %rem3A_51, %ne3A_53 : vector<1152x6xi32>
    %lt3A_55 = arith.constant 0 : i32
    %lt3A_56 = vector.broadcast %lt3A_55 : i32 to vector<1152x6xi32>
    %lt3A_57 = arith.cmpi slt, %rem3A_51, %lt3A_56 : vector<1152x6xi32>
    %lt3A_58 = arith.constant 0 : i32
    %lt3A_59 = arith.cmpi slt, %select_n3A_49, %lt3A_58 : i32
    %ne3A_60 = vector.broadcast %lt3A_59 : i1 to vector<1152x6xi1>
    %ne3A_61 = vector.broadcast %ne3A_60 : vector<1152x6xi1> to vector<1152x6xi1>
    %ne3A_62 = arith.xori %lt3A_57, %ne3A_61 : vector<1152x6xi1>
    %and3A_63 = arith.andi %ne3A_62, %ne3A_54 : vector<1152x6xi1>
    %add3A_64 = vector.broadcast %select_n3A_49 : i32 to vector<1152x6xi32>
    %add3A_65 = arith.addi %rem3A_51, %add3A_64 : vector<1152x6xi32>
    %select_n3A_66 = arith.select %and3A_63, %add3A_65, %rem3A_51 : vector<1152x6xi1>, vector<1152x6xi32>
    %eq3A_67 = arith.cmpi eq, %select_n3A_66, %iota3A_14 : vector<1152x6xi32>
    %convert_element_type3A_68 = arith.extui %eq3A_67 : vector<1152x6xi1> to vector<1152x6xi32>
    %convert_element_type3A_69 = arith.sitofp %convert_element_type3A_68 : vector<1152x6xi32> to vector<1152x6xf32>
    %get3A = arith.constant 0 : index
    %get3A_70 = arith.constant 0 : index
    %get3A_71 = vector.load %arg0[%get3A, %get3A_70] : memref<6x128xf32, #tpu.memory_space<vmem>>, vector<6x128xf32>
    %dot_general3A = arith.constant dense<0.000000e+00> : vector<1152x128xf32>
    %dot_general3A_72 = tpu.matmul %convert_element_type3A_44, %get3A_71, %dot_general3A {dimension_numbers = #tpu.dot_dimension_numbers<[1], [0], [0], [1], [0, 0, 1, 1], [], []>, transpose_lhs_hint = false} : vector<1152x6xf32>, vector<6x128xf32>, vector<1152x128xf32> -> vector<1152x128xf32>
    %get3A_73 = arith.constant 0 : index
    %get3A_74 = arith.constant 0 : index
    %get3A_75 = vector.load %arg1[%get3A_73, %get3A_74] : memref<6x128xf32, #tpu.memory_space<vmem>>, vector<6x128xf32>
    %dot_general3A_76 = arith.constant dense<0.000000e+00> : vector<1152x128xf32>
    %dot_general3A_77 = tpu.matmul %convert_element_type3A_69, %get3A_75, %dot_general3A_76 {dimension_numbers = #tpu.dot_dimension_numbers<[1], [0], [0], [1], [0, 0, 1, 1], [], []>, transpose_lhs_hint = false} : vector<1152x6xf32>, vector<6x128xf32>, vector<1152x128xf32> -> vector<1152x128xf32>
    %concatenate3A = tpu.concatenate %dot_general3A_72, %dot_general3A_77 in 1 : vector<1152x128xf32>, vector<1152x128xf32> -> vector<1152x256xf32>
    %swap3A = arith.constant 0 : index
    %swap3A_78 = arith.constant 0 : index
    %swap3A_79 = vector.load %arg2[%swap3A, %swap3A_78] : memref<1152x256xf32, #tpu.memory_space<vmem>>, vector<1152x256xf32>
    tpu.vector_store %arg2[%swap3A, %swap3A_78], %concatenate3A {strides = array<i32>} : memref<1152x256xf32, #tpu.memory_space<vmem>>, vector<1152x256xf32>,
    return
  }
}

module attributes {stable_mosaic.version = 14 : i64} {
  func.func @_tc_expand_body(%arg0: i32, %arg1: memref<2048xi32, #tpu.memory_space<vmem>>, %arg2: memref<2048xi32, #tpu.memory_space<vmem>>, %arg3: memref<6x128xf32, #tpu.memory_space<vmem>>, %arg4: memref<6x128xf32, #tpu.memory_space<vmem>>, %arg5: memref<2048x256xf32, #tpu.memory_space<vmem>>) attributes {dimension_semantics = [#tpu.dimension_semantics<arbitrary>], iteration_bounds = array<i64: 70>, scalar_prefetch = 0 : i64, scratch_operands = 0 : i64, tpu.core_type = #tpu.core_type<tc>, window_params = [{transform_indices = @transform_0, window_bounds = array<i64: 2048>}, {transform_indices = @transform_1, window_bounds = array<i64: 2048>}, {pipeline_mode = #tpu.pipeline_mode<synchronous>, transform_indices = @transform_2, window_bounds = array<i64: 6, 128>}, {pipeline_mode = #tpu.pipeline_mode<synchronous>, transform_indices = @transform_3, window_bounds = array<i64: 6, 128>}, {transform_indices = @transform_4, window_bounds = array<i64: 2048, 256>}]} {
    %get3A = arith.constant 0 : index
    %get3A_0 = vector.load %arg1[%get3A] : memref<2048xi32, #tpu.memory_space<vmem>>, vector<2048xi32>
    %get3A_1 = arith.constant 0 : index
    %get3A_2 = vector.load %arg2[%get3A_1] : memref<2048xi32, #tpu.memory_space<vmem>>, vector<2048xi32>
    %iota3A = tpu.iota {dimensions = array<i32: 1>} : vector<2048x6xi32>
    %broadcast_in_dim3A = vector.shape_cast %get3A_0 : vector<2048xi32> to vector<2048x1xi32>
    %eq3A = vector.broadcast %broadcast_in_dim3A : vector<2048x1xi32> to vector<2048x6xi32>
    %eq3A_3 = arith.cmpi eq, %eq3A, %iota3A : vector<2048x6xi32>
    %convert_element_type3A = arith.extui %eq3A_3 : vector<2048x6xi1> to vector<2048x6xi32>
    %convert_element_type3A_4 = arith.sitofp %convert_element_type3A : vector<2048x6xi32> to vector<2048x6xf32>
    %broadcast_in_dim3A_5 = vector.shape_cast %get3A_2 : vector<2048xi32> to vector<2048x1xi32>
    %eq3A_6 = vector.broadcast %broadcast_in_dim3A_5 : vector<2048x1xi32> to vector<2048x6xi32>
    %eq3A_7 = arith.cmpi eq, %eq3A_6, %iota3A : vector<2048x6xi32>
    %convert_element_type3A_8 = arith.extui %eq3A_7 : vector<2048x6xi1> to vector<2048x6xi32>
    %convert_element_type3A_9 = arith.sitofp %convert_element_type3A_8 : vector<2048x6xi32> to vector<2048x6xf32>
    %get3A_10 = arith.constant 0 : index
    %get3A_11 = arith.constant 0 : index
    %get3A_12 = vector.load %arg3[%get3A_10, %get3A_11] : memref<6x128xf32, #tpu.memory_space<vmem>>, vector<6x128xf32>
    %dot_general3A = arith.constant dense<0.000000e+00> : vector<2048x128xf32>
    %dot_general3A_13 = tpu.matmul %convert_element_type3A_4, %get3A_12, %dot_general3A {dimension_numbers = #tpu.dot_dimension_numbers<[1], [0], [0], [1], [0, 0, 1, 1], [], []>, transpose_lhs_hint = false} : vector<2048x6xf32>, vector<6x128xf32>, vector<2048x128xf32> -> vector<2048x128xf32>
    %get3A_14 = arith.constant 0 : index
    %get3A_15 = arith.constant 0 : index
    %get3A_16 = vector.load %arg4[%get3A_14, %get3A_15] : memref<6x128xf32, #tpu.memory_space<vmem>>, vector<6x128xf32>
    %dot_general3A_17 = arith.constant dense<0.000000e+00> : vector<2048x128xf32>
    %dot_general3A_18 = tpu.matmul %convert_element_type3A_9, %get3A_16, %dot_general3A_17 {dimension_numbers = #tpu.dot_dimension_numbers<[1], [0], [0], [1], [0, 0, 1, 1], [], []>, transpose_lhs_hint = false} : vector<2048x6xf32>, vector<6x128xf32>, vector<2048x128xf32> -> vector<2048x128xf32>
    %concatenate3A = tpu.concatenate %dot_general3A_13, %dot_general3A_18 in 1 : vector<2048x128xf32>, vector<2048x128xf32> -> vector<2048x256xf32>
    %swap3A = arith.constant 0 : index
    %swap3A_19 = arith.constant 0 : index
    %swap3A_20 = vector.load %arg5[%swap3A, %swap3A_19] : memref<2048x256xf32, #tpu.memory_space<vmem>>, vector<2048x256xf32>
    tpu.vector_store %arg5[%swap3A, %swap3A_19], %concatenate3A {strides = array<i32>} : memref<2048x256xf32, #tpu.memory_space<vmem>>, vector<2048x256xf32>,
    return
  }
  func.func @transform_0(%arg0: i32) -> i32 {
    %c0_i32 = arith.constant 0 : i32
    return %arg0 : i32
  }
  func.func @transform_1(%arg0: i32) -> i32 {
    %c0_i32 = arith.constant 0 : i32
    return %arg0 : i32
  }
  func.func @transform_2(%arg0: i32) -> (i32, i32) {
    %c0_i32 = arith.constant 0 : i32
    %c0_i32_0 = arith.constant 0 : i32
    %c0_i32_1 = arith.constant 0 : i32
    return %c0_i32, %c0_i32_0 : i32, i32
  }
  func.func @transform_3(%arg0: i32) -> (i32, i32) {
    %c0_i32 = arith.constant 0 : i32
    %c0_i32_0 = arith.constant 0 : i32
    %c0_i32_1 = arith.constant 0 : i32
    return %c0_i32, %c0_i32_0 : i32, i32
  }
  func.func @transform_4(%arg0: i32) -> (i32, i32) {
    %c0_i32 = arith.constant 0 : i32
    %c0_i32_0 = arith.constant 0 : i32
    return %arg0, %c0_i32 : i32, i32
  }
}

</mosaic_0001>

<sc_bundles>
// kernel: kernel.5.cloned.1.call-start
scs
__scs_entry_jumppad:
0x0: {  	(pc) =	sbr.rel $0x88, $3  }
0x1: {  	(tag) =	ssettag $0x0;
	lr =	simm.s32 $0x1  }
0x2: {  	[smem:$0x3F9D] =	sst lr;
	_ =	strace $0xD0000000  }
0x3: {  	_ = 	snop  }
0x4: {  	_ = 	snop  }
0x5: {  	_ = 	snop  }
0x6: {  	_ = 	snop  }
0x7: {  	_ = 	snop  }
__scs_overlays_trampoline_lowered:
0x8: {  	[smem:$0x3FAC] =	sst s0  }
0x9: {  	[smem:$0x3FAD] =	sst s1  }
0xa: {  	[smem:$0x3FAE] =	sst s2  }
0xb: {  	[smem:$0x3FAF] =	sst s3  }
0xc: {  	[smem:$0x3FB0] =	sst s4  }
0xd: {  	[smem:$0x3FB1] =	sst s5  }
0xe: {  	[smem:$0x3FB2] =	sst s6  }
0xf: {  	[smem:$0x3FB3] =	sst s7  }
0x10: {  	[smem:$0x3FB4] =	sst s8  }
0x11: {  	[smem:$0x3FB5] =	sst s9;
	s0 =	simm.s32 @!p0 $0x0  }
0x12: {  	s1 =	sld [smem:$0x3F9B];
	s0 =	simm.s32 @p0 $0x1  }
0x13: {  	[smem:$0x3FB6] =	sst s0;
	s0 =	simm.s32 @!p1 $0x0  }
0x14: {  	s2 =	sld [smem:$0x3F9A];
	s0 =	simm.s32 @p1 $0x1  }
0x15: {  	[smem:$0x3FB7] =	sst s0;
	s0 =	simm.s32 @!p2 $0x0  }
0x16: {  	s3 =	sld [smem:$0x3FDB];
	s0 =	simm.s32 @p2 $0x1  }
0x17: {  	s4 =	simm.s32 $0x1BF5;
	[smem:$0x3FB9] =	sst s0  }
0x18: {  	s0 =	sld [smem:$0x3F9C];
	_ =	swait.ge [sflag:s4], $0x0  }
0x19: {  	s7 =	sld [smem:$0x3F9D]  }
0x1a: {  	s8 =	sadd.s32 $0xFFFFE003, lr  }
0x1b: {  	s9 =	sadd.s32 $0xFFFFFEF7, lr;
	s5 =	simm.s32 $0xFFFFFFFF;
	p2 =	slt.u32 s8, $0xFFFFF086  }
0x1c: {  	p1 =	slt.u32 s9, $0xF7A;
	s5 =	simm.s32 @!p2 $0x0  }
0x1d: {  	s5 =	simm.s32 @p1 $0x1;
	p0 =	seq.s32 s7, s2  }
0x1e: {  	s7 =	smul.u32 @!p0 $0xF7A, s2;
	p2 =	seq.s32 @!p0 s5, $0x0  }
0x1f: {  	s9 =	smul.u32 $0xF7A, s1;
	s8 =	simm.s32 @!p0 $0x1BF5;
	p2 =	por !p2, p0  }
0x20: {  	[sflag:s8] =	ssyncset.s32 @!p0 $0xFFFFF086;
	s6 =	sadd.s32 @!p0 s3, s7;
	s7 =	simm.s32 @!p0 $0x108  }
0x21: {  	s3 =	sadd.s32 s3, s9;
	s6 =	sadd.s32 @!p0 $0x88, s6;
	s7 =	simm.s32 @p2 $0x1082  }
0x22: {  	[simem:s7], [sflag:s8] =	dma.local @!p0 [hbm:s6], $0xF7A  }
0x23: {  	s9 =	sor.u32 $0xD0000000, s2;
	s6 =	simm.s32 $0x108;
	_ =	swait.ge @!p0 [sflag:s8], $0x0  }
0x24: {  	s3 =	sadd.s32 $0x88, s3;
	s6 =	simm.s32 @!p1 $0x1082;
	[sflag:s4] =	ssyncset.s32 $0xFFFFF086  }
0x25: {  	[simem:s6], [sflag:s4] =	dma.local [hbm:s3], $0xF7A  }
0x26: {  	[smem:$0x3F9D] =	sst s1;
	(tag) =	ssettag s2;
	_ =	strace s9  }
0x27: {  	s1 =	sld [smem:$0x3FAD]  }
0x28: {  	s2 =	sld [smem:$0x3FAE]  }
0x29: {  	s4 =	sld [smem:$0x3FB0]  }
0x2a: {  	p0 =	seq.s32 s5, $0x0;
	s5 =	sld [smem:$0x3FB1]  }
0x2b: {  	s6 =	sld [smem:$0x3FB2]  }
0x2c: {  	s7 =	sld [smem:$0x3FB3]  }
0x2d: {  	s3 =	simm.s32 $0x108;
	s8 =	sld [smem:$0x3FB4]  }
0x2e: {  	s3 =	simm.s32 @!p0 $0x1082;
	s9 =	sld [smem:$0x3FB5]  }
0x2f: {  	lr =	sadd.s32 s0, s3;
	s0 =	sld [smem:$0x3FAC]  }
0x30: {  	s3 =	sld [smem:$0x3FAF]  }
0x31: {  	[smem:$0x3FB8] =	sst s10  }
0x32: {  	s10 =	sld [smem:$0x3FB6];
	_ =	sdelay $0x3  }
0x33: {  	p0 =	seq.s32 s10, $0x1;
	s10 =	sld [smem:$0x3FB8];
	_ =	sdelay $0x3  }
0x34: {  	[smem:$0x3FB8] =	sst s10  }
0x35: {  	s10 =	sld [smem:$0x3FB7];
	_ =	sdelay $0x3  }
0x36: {  	p1 =	seq.s32 s10, $0x1;
	s10 =	sld [smem:$0x3FB8];
	_ =	sdelay $0x3  }
0x37: {  	[smem:$0x3FB8] =	sst s10  }
0x38: {  	s10 =	sld [smem:$0x3FB9]  }
0x39: {  	_ = 	snop;
	(pc) =	sbr.ind lr, $3  }
0x3a: {  	_ = 	snop  }
0x3b: {  	_ = 	snop  }
0x3c: {  	p2 =	seq.s32 s10, $0x1;
	s10 =	sld [smem:$0x3FB8]  }
0x3d: {  	_ =	shalt  }
0x3e: {  	_ =	shalt  }
0x3f: {  	_ =	shalt  }
0x40: {  	_ =	shalt  }
0x41: {  	_ =	shalt  }
0x42: {  	_ =	shalt  }
0x43: {  	_ =	shalt  }
0x44: {  	_ =	shalt  }
0x45: {  	_ =	shalt  }
0x46: {  	_ =	shalt  }
0x47: {  	_ =	shalt  }
0x48: {  	_ =	shalt  }
0x49: {  	_ =	shalt  }
0x4a: {  	_ =	shalt  }
0x4b: {  	_ =	shalt  }
0x4c: {  	_ =	shalt  }
0x4d: {  	_ =	shalt  }
0x4e: {  	_ =	shalt  }
0x4f: {  	_ =	shalt  }
0x50: {  	_ =	shalt  }
0x51: {  	_ =	shalt  }
0x52: {  	_ =	shalt  }
0x53: {  	_ =	shalt  }
0x54: {  	_ =	shalt  }
0x55: {  	_ =	shalt  }
0x56: {  	_ =	shalt  }
0x57: {  	_ =	shalt  }
0x58: {  	_ =	shalt  }
0x59: {  	_ =	shalt  }
0x5a: {  	_ =	shalt  }
0x5b: {  	_ =	shalt  }
0x5c: {  	_ =	shalt  }
0x5d: {  	_ =	shalt  }
0x5e: {  	_ =	shalt  }
0x5f: {  	_ =	shalt  }
0x60: {  	_ =	shalt  }
0x61: {  	_ =	shalt  }
0x62: {  	_ =	shalt  }
0x63: {  	_ =	shalt  }
0x64: {  	_ =	shalt  }
0x65: {  	_ =	shalt  }
0x66: {  	_ =	shalt  }
0x67: {  	_ =	shalt  }
0x68: {  	_ =	shalt  }
0x69: {  	_ =	shalt  }
0x6a: {  	_ =	shalt  }
0x6b: {  	_ =	shalt  }
0x6c: {  	_ =	shalt  }
0x6d: {  	_ =	shalt  }
0x6e: {  	_ =	shalt  }
0x6f: {  	_ =	shalt  }
0x70: {  	_ =	shalt  }
0x71: {  	_ =	shalt  }
0x72: {  	_ =	shalt  }
0x73: {  	_ =	shalt  }
0x74: {  	_ =	shalt  }
0x75: {  	_ =	shalt  }
0x76: {  	_ =	shalt  }
0x77: {  	_ =	shalt  }
0x78: {  	_ =	shalt  }
0x79: {  	_ =	shalt  }
0x7a: {  	_ =	shalt  }
0x7b: {  	_ =	shalt  }
0x7c: {  	_ =	shalt  }
0x7d: {  	_ =	shalt  }
0x7e: {  	_ =	shalt  }
0x7f: {  	_ =	shalt  }
0x80: {  	_ =	shalt  }
0x81: {  	_ =	shalt  }
0x82: {  	_ =	shalt  }
0x83: {  	_ =	shalt  }
0x84: {  	_ =	shalt  }
0x85: {  	_ =	shalt  }
0x86: {  	_ =	shalt  }
0x87: {  	_ =	shalt  }
.Lfunc_end0:
.L_simem_size_0:
called_computation_lowered:
.L_overlay_start_0:
0x88: {  	s2 =	sld [smem:$0x3FD9]  }
0x89: {  	s3 =	sld [smem:$0x3FFE];
	_ =	sdelay $0x1  }
0x8a: {  	s1 =	srdreg.scid  }
0x8b: {  	s0 =	sand.u32 $0x1, s1  }
0x8c: {  	s17 =	sshll.u32 s0, $0xA;
	s2 =	sadd.s32 s3, s2  }
0x8d: {  	s2 =	sadd.s32 s2, s17  }
0x8e: {  	[smem:$0x3FC4] =	sst s2  }
0x8f: {  	_ = 	snop  }
0x90: {  	s2 =	sld [smem:$0x3FD0];
	(tm) =	ssettm $0x1  }
0x91: {  	s18 =	sld [smem:$0x3FFB];
	_ =	sdelay $0x3  }
0x92: {  	_ =	strace s18  }
0x93: {  	s3 =	sld [smem:$0x3FFC];
	_ =	sdelay $0x3  }
0x94: {  	_ =	strace s3  }
0x95: {  	s3 =	sld [smem:$0x3FFD];
	_ =	sdelay $0x3  }
0x96: {  	_ =	strace s3  }
0x97: {  	_ =	strace $0x8FFFFFFF  }
0x98: {  	s19 =	sld [smem:$0x3FDB];
	_ =	sdelay $0x1  }
0x99: {  	s4 =	simm.s32 $_scs_section_size  }
0x9a: {  	s5 =	simm.s32 $_size__tile_overlayer_lowered;
	s6 =	simm.s32 $_tile_overlayer_lowered  }
0x9b: {  	s22 =	simm.s32 $0x1BFF;
	s21 =	sshll.u32 s6, $0x1;
	s3 =	sadd.s32 s4, s19  }
0x9c: {  	s7 =	simm.s32 $0x0;
	s20 =	sshll.u32 s5, $0x1;
	s5 =	sadd.s32 s21, s3  }
0x9d: {  	[timem:s7], [sflag:s22] =	dma.local [hbm:s5], s20  }
0x9e: {  	_ =	swait.ge [sflag:s22], s20  }
0x9f: {  	s4 =	ssub.s32 $0x0, s20;
	[sflag:s22] =	ssyncset.done $0x0  }
0xa0: {  	[sflag:s22] =	ssyncadd.s32 s4;
	_ =	sdelay $0x1  }
0xa1: {  	s23 =	simm.s32 $0x1B8B  }
0xa2: {  	_ =	swait.ge [sflag:s23], $0x1  }
0xa3: {  	[sflag:s23] =	ssyncset.done $0x0  }
0xa4: {  	s25 =	simm.s32 $0x1B8E;
	s24 =	sld [smem:$0x3FFE];
	[sflag:s23] =	ssyncadd.s32 $0xFFFFFFFF  }
0xa5: {  	s26 =	simm.s32 $execute0_lowered;
	[smem:$0x3FD2] =	sst s25  }
0xa6: {  	s5 =	sshll.u32 s26, $0x1;
	_ =	strace $0x80000046;
	[dreg:$0x1] =	wrdreg $0xFFFFFFFF  }
0xa7: {  	s28 =	simm.s32 $_size_execute0_lowered;
	s3 =	sadd.s32 s3, s5;
	[dreg:$0x0] =	wrdreg $0x0  }
0xa8: {  	s5 =	sshll.u32 s28, $0x1;
	[dreg:$0x2] =	wrdreg s3  }
0xa9: {  	[dreg:$0x3] =	wrdreg s5  }
0xaa: {  	[dreg:$0x4] =	wrdreg $0xC0  }
0xab: {  	_ =	task [dreg:s7], $0x5FFFF  }
0xac: {  	[dreg:$0x1] =	wrdreg $0xFFFFFFFF  }
0xad: {  	[dreg:$0x0] =	wrdreg $0x60  }
0xae: {  	[dreg:$0x2] =	wrdreg s24  }
0xaf: {  	[dreg:$0x3] =	wrdreg s2  }
0xb0: {  	[dreg:$0x4] =	wrdreg $0x9  }
0xb1: {  	_ =	task.clear_ibuf [dreg:s7], $0x5FFFF;
	_ =	strace $0x90000046  }
0xb2: {  	s29 =	simm.s32 $0x9;
	_ =	strace $0x80000048  }
0xb3: {  	_ =	swait.ge [sflag:s29], $0x1  }
0xb4: {  	[sflag:s29] =	ssyncadd.s32 $0xFFFFFFFF  }
0xb5: {  	_ =	strace $0x90000048  }
0xb6: {  	_ =	sfence  }
0xb7: {  	s30 =	sld [smem:$0x0];
	_ =	sdelay $0x2  }
0xb8: {  	s31 =	sshll.u32 s1, $0xD;
	s1 =	sshrl.u32 s1, $0x2  }
0xb9: {  	s3 =	sand.u32 $0x4000, s31;
	s1 =	sadd.s32 s1, s30  }
0xba: {  	s0 =	sor.u32 s3, s0;
	s1 =	sshll.u32 s1, $0x11  }
0xbb: {  	s0 =	sor.u32 s1, s0  }
0xbc: {  	s0 =	sadd.s32 $0x8F2B, s0  }
0xbd: {  	[sflag:s0] =	ssyncadd.remote.s32 $0x1  }
0xbe: {  	_ =	sfence.sel $0xFFFF  }
0xbf: {  	[dreg:$0x0] =	wrdreg $0xFFFFFFFF;
	(pc) =	sbr.abs _section_cstart, $3  }
0xc0: {  	[dreg:$0x1] =	wrdreg $0xFFFFFFFF  }
0xc1: {  	_ =	task.clear_ibuf [dreg:s7], $0x2FFFF;
	_ =	strace $0x9FFFFFFF  }
0xc2: {  	(tm) =	ssettm $0x7FFFFFFF  }
0xc3: {  	_ =	shalt  }
tec
execute0_lowered:
.L_overlay_start_1:
0x0: {  	(tag) =	ssettag $0x1  }
0x1: {  	s0 =	rddreg [dreg:$0x0]  }
0x2: {  	s1 =	rddreg [dreg:$0x1];
	s3 =	srdreg.scid  }
0x3: {  	s12 =	stileid.u32;
	s2 =	simm.s32 $0x0;
	s28 =	simm.s32 $0x180  }
0x4: {  	s30 =	simm.s32 $0x7;
	s31 =	simm.s32 $0xA480;
	s6 =	sand.u32 $0x1, s3  }
0x5: {  	s19 =	sshll.u32 s12, $0x1;
	[smem:$0x7FF] =	sst s2;
	s26 =	smul.u32 $0xF00, s12  }
0x6: {  	s3 =	sadd.s32 $0xA00, s0;
	s4 =	sadd.s32 $0x2800, s0;
	s29 =	smul.u32 $0x780, s6  }
0x7: {  	s7 =	sor.u32 s6, s19;
	s8 =	ssub.s32 $0x2, s6;
	s6 =	smul.u32 $0xF000, s6  }
0x8: {  	s5 =	sadd.s32 $0x4600, s0;
	s9 =	smul.u32 $0x780, s7;
	s10 =	sshrl.u32 s8, $0x1  }
0x9: {  	_ =	strace $0x80000047;
	s11 =	smul.u32 $0xF000, s7;
	s0 =	ssub.s32 s8, s10  }
0xa: {  	s14 =	smul.u32 $0x24, s7;
	s17 =	sadd.s32 s29, s26;
	s0 =	smax.u32 s0, $0x1  }
0xb: {  	s20 =	sshrl.u32 s9, $0x3;
	s29 =	sadd.s32 $0x140, s17;
	[dreg:$0xe] =	wrdreg s0  }
0xc: {  	s7 =	simm.s32 $0x13600;
	s9 =	sadd.s32 s3, s20;
	[dreg:$0x10] =	wrdreg s29  }
0xd: {  	s15 =	sadd.s32 s1, s11;
	s21 =	sadd.s32 s4, s20;
	[dreg:$0x3] =	wrdreg s9  }
0xe: {  	s19 =	sadd.s32 $0x230, s17;
	s16 =	sadd.s32 $0x46D200, s15;
	[dreg:$0x4] =	wrdreg s21  }
0xf: {  	s22 =	sor.u32 $0xA, s20;
	s18 =	sadd.s32 $0x46DC00, s15;
	[dreg:$0xb] =	wrdreg s16  }
0x10: {  	s11 =	simm.s32 $0x5300;
	s23 =	sadd.s32 s3, s22;
	[dreg:$0xc] =	wrdreg s18  }
0x11: {  	s24 =	sadd.s32 $0x14, s20;
	s9 =	sadd.s32 s4, s22;
	[dreg:$0x5] =	wrdreg s23  }
0x12: {  	v0 =	vmov s14;
	s14 =	simm.s32 $0xC;
	s25 =	sadd.s32 s3, s24;
	[dreg:$0x6] =	wrdreg s9  }
0x13: {  	s8 =	sadd.s32 $0x1E, s20;
	s10 =	sadd.s32 s4, s24;
	[dreg:$0x7] =	wrdreg s25  }
0x14: {  	s20 =	smul.u32 $0x1E000, s12;
	s13 =	sadd.s32 s3, s8;
	[dreg:$0x8] =	wrdreg s10  }
0x15: {  	s12 =	simm.s32 $0x6;
	s8 =	sadd.s32 s4, s8;
	[dreg:$0x9] =	wrdreg s13  }
0x16: {  	s21 =	sshrl.u32 s19, $0x3;
	s16 =	simm.s32 $0xF600;
	[dreg:$0xa] =	wrdreg s8  }
0x17: {  	s8 =	sadd.s32 $0x46E600, s15;
	s18 =	sadd.s32 s21, s4;
	s22 =	sadd.s32 s20, s1  }
0x18: {  	s19 =	sadd.s32 s21, s3;
	s23 =	sadd.s32 $0x1E0, s17;
	s25 =	sadd.s32 $0x190, s17  }
0x19: {  	s10 =	simm.s32 $0x4;
	s15 =	simm.s32 $0xA;
	s9 =	simm.s32 $0x3  }
0x1a: {  	s13 =	simm.s32 $0x9;
	s17 =	simm.s32 $0x0;
	[dreg:$0xd] =	wrdreg s8  }
0x1b: {  	s0 =	sadd.s32 s6, s22;
	s24 =	sshrl.u32 s23, $0x3;
	s26 =	sshrl.u32 s25, $0x3  }
0x1c: {  	v3 =	vlaneseq.u32;
	s6 =	simm.s32 $0x12E00;
	s8 =	simm.s32 $0x13E00;
	s0 =	sadd.s32 $0x45E200, s0  }
0x1d: {  	vm0 =	vmmov $0xffff;
	v2 =	vshrl.u32 v3, $0x3;
	s21 =	sadd.s32 s24, s4;
	s22 =	sadd.s32 s24, s3;
	s23 =	sadd.s32 s26, s4  }
0x1e: {  	v1 =	vand.u32 $0x7, v3;
	v3 =	vor.u32 $0x8, v3;
	v2 =	vmul.u32 $0x8, v2;
	s24 =	sadd.s32 s26, s3;
	s26 =	simm.s32 $0x1;
	[dreg:$0xf] =	wrdreg s0  }
.LBB2_1:
0x1f: {  	[dreg:$0x11] =	wrdreg s17  }
0x20: {  	s0 =	rddreg [dreg:$0x3]  }
0x21: {  	s29 =	rddreg [dreg:$0x4]  }
0x22: {  	[tilespmem:s2], [sflag:$0x1] =	stream.linear.gather [hbm4b:s0+s2], $0x50, $0x38;
	[tilespmem:$0x14600] =	vst v63  }
0x23: {  	s1 =	simm.s32 $0x80;
	s17 =	rddreg [dreg:$0x5]  }
0x24: {  	[tilespmem:s1], [sflag:$0x1] =	stream.linear.gather [hbm4b:s29+s2], $0x50, $0x38;
	[tilespmem:$0x14600] =	vst v63  }
0x25: {  	s20 =	simm.s32 $0x5180;
	s25 =	rddreg [dreg:$0x6]  }
0x26: {  	[tilespmem:s20], [sflag:$0x4] =	stream.linear.gather [hbm4b:s17+s2], $0x50, $0x38;
	[tilespmem:$0x14600] =	vst v63  }
0x27: {  	s29 =	simm.s32 $0x5200;
	s17 =	rddreg [dreg:$0x7]  }
0x28: {  	[tilespmem:s29], [sflag:$0x4] =	stream.linear.gather [hbm4b:s25+s2], $0x50, $0x38;
	[tilespmem:$0x14600] =	vst v63  }
0x29: {  	s20 =	simm.s32 $0xA300;
	s25 =	rddreg [dreg:$0x8]  }
0x2a: {  	[tilespmem:s20], [sflag:$0x7] =	stream.linear.gather [hbm4b:s17+s2], $0x50, $0x38;
	[tilespmem:$0x14600] =	vst v63  }
0x2b: {  	s29 =	simm.s32 $0xA380;
	s17 =	rddreg [dreg:$0x9]  }
0x2c: {  	[tilespmem:s29], [sflag:$0x7] =	stream.linear.gather [hbm4b:s25+s2], $0x50, $0x38;
	[tilespmem:$0x14600] =	vst v63  }
0x2d: {  	s20 =	simm.s32 $0xF480;
	s25 =	rddreg [dreg:$0xa]  }
0x2e: {  	[tilespmem:s20], [sflag:$0xA] =	stream.linear.gather [hbm4b:s17+s2], $0x50, $0x38;
	[tilespmem:$0x14600] =	vst v63  }
0x2f: {  	s29 =	simm.s32 $0xF500;
	s17 =	rddreg [dreg:$0x10]  }
0x30: {  	[tilespmem:s29], [sflag:$0xA] =	stream.linear.gather [hbm4b:s25+s2], $0x50, $0x38;
	[tilespmem:$0x14600] =	vst v63  }
0x31: {  	s20 =	rddreg [dreg:$0xf];
	s25 =	simm.s32 $0x0  }
.LBB2_2:
0x32: {  	_ =	swait.ge [sflag:s26], $0x50  }
0x33: {  	[sflag:s26] =	ssyncset.done $0x0  }
0x34: {  	[sflag:s26] =	ssyncadd.s32 $0xFFFFFFB0  }
0x35: {  	_ =	swait.ge [sflag:s26], $0x50  }
0x36: {  	[sflag:s26] =	ssyncset.done $0x0  }
0x37: {  	[sflag:s26] =	ssyncadd.s32 $0xFFFFFFB0  }
0x38: {  	v4 =	vld [tilespmem:$0x0]  }
0x39: {  	v5 =	vld [tilespmem:$0x80]  }
0x3a: {  	v6 =	vld [tilespmem:$0x10]  }
0x3b: {  	v8 =	vld [tilespmem:$0x20]  }
0x3c: {  	v9 =	vld [tilespmem:$0xA0]  }
0x3d: {  	v10 =	vld [tilespmem:$0x30]  }
0x3e: {  	v7 =	vld [tilespmem:$0x90]  }
0x3f: {  	v12 =	vld [tilespmem:$0x40];
	v4 =	vmul.u32 $0x6, v4  }
0x40: {  	v11 =	vld [tilespmem:$0xB0];
	v5 =	vadd.s32 v0, v5  }
0x41: {  	v61 =	vld [tilespmem:$0xC0];
	v6 =	vmul.u32 $0x6, v6;
	v62 =	vmul.u32 $0x6, v8;
	v4 =	vadd.s32 v4, v5  }
0x42: {  	v9 =	vadd.s32 v0, v9;
	v16 =	vmul.u32 $0x6, v10;
	v63 =	vshll.u32 v4, $0x1  }
0x43: {  	v5 =	vadd.s32 v0, v7;
	v13 =	vand.u32 $0x7, v4;
	v8 =	vand.u32 $0xFFFFFFF0, v63  }
0x44: {  	v17 =	vmul.u32 $0x6, v12;
	v5 =	vadd.s32 v6, v5;
	[tilespmem:$0x100] =	vst v4;
	v15 =	vor.u32 v13, v8  }
0x45: {  	v4 =	vadd.s32 v62, v9;
	[tilespmem:$0x110] =	vst v5;
	v5 =	vadd.s32 v0, v11;
	v18 =	vperm.xlane v15, v1  }
0x46: {  	[tilespmem:$0x120] =	vst v4;
	v4 =	vadd.s32 v16, v5;
	v5 =	vadd.s32 v0, v61  }
0x47: {  	p0 =	seq.s32 s25, $0x0;
	[tilespmem:$0x130] =	vst v4;
	v4 =	vadd.s32 v17, v5;
	v6 =	vperm.xlane v15, v3;
	v5 =	vadd.s32 v2, v18  }
0x48: {  	s29 =	simm.s32 @!p0 $0x2;
	[tilespmem:$0x140] =	vst v4  }
0x49: {  	_ =	swait.ge @!p0 [sflag:s29], $0x5000;
	v4 =	vadd.s32 v2, v6  }
0x4a: {  	[sflag:s29] =	ssyncset.done @!p0 $0x0  }
0x4b: {  	[sflag:s29] =	ssyncadd.s32 @!p0 $0xFFFFB000  }
0x4c: {  	[tilespmem:s28], [sflag:$0x3] =	stream.indirect_vreg.gather [hbm4b:s5+s2], $0x80, v5, vm0, $0xb8;
	[tilespmem:$0x14600] =	vst v63  }
0x4d: {  	s0 =	simm.s32 $0x980  }
0x4e: {  	[tilespmem:s0], [sflag:$0x3] =	stream.indirect_vreg.gather [hbm4b:s5+s2], $0x80, v4, vm0, $0xb8;
	[tilespmem:$0x14600] =	vst v63  }
0x4f: {  	v4 =	vld [tilespmem:$0x110];
	_ =	sdelay $0x4  }
0x50: {  	v5 =	vshll.u32 v4, $0x1  }
0x51: {  	v4 =	vand.u32 $0x7, v4;
	v5 =	vand.u32 $0xFFFFFFF0, v5  }
0x52: {  	v4 =	vor.u32 v4, v5  }
0x53: {  	v5 =	vperm.xlane v4, v1;
	_ =	sdelay $0x1  }
0x54: {  	v4 =	vperm.xlane v4, v3;
	v5 =	vadd.s32 v2, v5;
	_ =	sdelay $0x1  }
0x55: {  	v4 =	vadd.s32 v2, v4;
	_ =	sdelay $0x1  }
0x56: {  	s1 =	simm.s32 $0x1180  }
0x57: {  	[tilespmem:s1], [sflag:$0x3] =	stream.indirect_vreg.gather [hbm4b:s5+s2], $0x80, v5, vm0, $0xb8;
	[tilespmem:$0x14600] =	vst v63  }
0x58: {  	s29 =	simm.s32 $0x1980  }
0x59: {  	[tilespmem:s29], [sflag:$0x3] =	stream.indirect_vreg.gather [hbm4b:s5+s2], $0x80, v4, vm0, $0xb8;
	[tilespmem:$0x14600] =	vst v63  }
0x5a: {  	v4 =	vld [tilespmem:$0x120];
	_ =	sdelay $0x4  }
0x5b: {  	v5 =	vshll.u32 v4, $0x1  }
0x5c: {  	v4 =	vand.u32 $0x7, v4;
	v5 =	vand.u32 $0xFFFFFFF0, v5  }
0x5d: {  	v4 =	vor.u32 v4, v5  }
0x5e: {  	v5 =	vperm.xlane v4, v1;
	_ =	sdelay $0x1  }
0x5f: {  	v4 =	vperm.xlane v4, v3;
	v5 =	vadd.s32 v2, v5;
	_ =	sdelay $0x1  }
0x60: {  	v4 =	vadd.s32 v2, v4;
	_ =	sdelay $0x1  }
0x61: {  	s1 =	simm.s32 $0x2180  }
0x62: {  	[tilespmem:s1], [sflag:$0x3] =	stream.indirect_vreg.gather [hbm4b:s5+s2], $0x80, v5, vm0, $0xb8;
	[tilespmem:$0x14600] =	vst v63  }
0x63: {  	s29 =	simm.s32 $0x2980  }
0x64: {  	[tilespmem:s29], [sflag:$0x3] =	stream.indirect_vreg.gather [hbm4b:s5+s2], $0x80, v4, vm0, $0xb8;
	[tilespmem:$0x14600] =	vst v63  }
0x65: {  	v4 =	vld [tilespmem:$0x130];
	_ =	sdelay $0x4  }
0x66: {  	v5 =	vshll.u32 v4, $0x1  }
0x67: {  	v4 =	vand.u32 $0x7, v4;
	v5 =	vand.u32 $0xFFFFFFF0, v5  }
0x68: {  	v4 =	vor.u32 v4, v5  }
0x69: {  	v5 =	vperm.xlane v4, v1;
	_ =	sdelay $0x1  }
0x6a: {  	v4 =	vperm.xlane v4, v3;
	v5 =	vadd.s32 v2, v5;
	_ =	sdelay $0x1  }
0x6b: {  	v4 =	vadd.s32 v2, v4;
	_ =	sdelay $0x1  }
0x6c: {  	s1 =	simm.s32 $0x3180  }
0x6d: {  	[tilespmem:s1], [sflag:$0x3] =	stream.indirect_vreg.gather [hbm4b:s5+s2], $0x80, v5, vm0, $0xb8;
	[tilespmem:$0x14600] =	vst v63  }
0x6e: {  	s29 =	simm.s32 $0x3980  }
0x6f: {  	[tilespmem:s29], [sflag:$0x3] =	stream.indirect_vreg.gather [hbm4b:s5+s2], $0x80, v4, vm0, $0xb8;
	[tilespmem:$0x14600] =	vst v63  }
0x70: {  	v4 =	vld [tilespmem:$0x140];
	_ =	sdelay $0x4  }
0x71: {  	v5 =	vshll.u32 v4, $0x1  }
0x72: {  	v4 =	vand.u32 $0x7, v4;
	v5 =	vand.u32 $0xFFFFFFF0, v5  }
0x73: {  	v4 =	vor.u32 v4, v5  }
0x74: {  	v5 =	vperm.xlane v4, v1;
	_ =	sdelay $0x1  }
0x75: {  	v4 =	vperm.xlane v4, v3;
	v5 =	vadd.s32 v2, v5;
	_ =	sdelay $0x1  }
0x76: {  	v4 =	vadd.s32 v2, v4;
	_ =	sdelay $0x1  }
0x77: {  	p1 =	seq.s32 s25, $0xC8;
	s1 =	simm.s32 $0x4180  }
0x78: {  	[tilespmem:s1], [sflag:$0x3] =	stream.indirect_vreg.gather [hbm4b:s5+s2], $0x80, v5, vm0, $0xb8;
	[tilespmem:$0x14600] =	vst v63  }
0x79: {  	s0 =	sshrl.u32 @!p1 s17, $0x3;
	s29 =	simm.s32 $0x4980  }
0x7a: {  	[tilespmem:s29], [sflag:$0x3] =	stream.indirect_vreg.gather [hbm4b:s5+s2], $0x80, v4, vm0, $0xb8;
	[tilespmem:$0x14600] =	vst v63  }
0x7b: {  	p2 =	seq.s32 @!p1 s25, $0x0;
	s1 =	sadd.s32 @!p1 s3, s0;
	s29 =	simm.s32 @!p1 $0x0  }
0x7c: {  	[tilespmem:s29], [sflag:$0x1] =	stream.linear.gather @!p1 [hbm4b:s1+s29], $0x50, $0x38;
	[tilespmem:$0x14600] =	vst v63  }
0x7d: {  	p2 =	por p1, !p2;
	s0 =	sadd.s32 @!p1 s4, s0;
	s1 =	simm.s32 @!p1 $0x80  }
0x7e: {  	[tilespmem:s1], [sflag:$0x1] =	stream.linear.gather @!p1 [hbm4b:s0+s29], $0x50, $0x38;
	[tilespmem:$0x14600] =	vst v63  }
0x7f: {  	_ =	swait.ge @p2 [sflag:s12], $0x5000  }
0x80: {  	[sflag:s12] =	ssyncset.done @p2 $0x0  }
0x81: {  	[sflag:s12] =	ssyncadd.s32 @p2 $0xFFFFB000  }
0x82: {  	[hbm4b:s20+s2] =	stream.linear.scatter @p2 [tilespmem:s11], [sflag:$0x5], $0x5000, $0x38;
	[tilespmem:$0x14600] =	vst v63  }
0x83: {  	_ =	swait.ge [sflag:s10], $0x50  }
0x84: {  	[sflag:s10] =	ssyncset.done $0x0  }
0x85: {  	[sflag:s10] =	ssyncadd.s32 $0xFFFFFFB0  }
0x86: {  	_ =	swait.ge [sflag:s10], $0x50  }
0x87: {  	[sflag:s10] =	ssyncset.done $0x0  }
0x88: {  	[sflag:s10] =	ssyncadd.s32 $0xFFFFFFB0  }
0x89: {  	v4 =	vld [tilespmem:$0x5180]  }
0x8a: {  	v5 =	vld [tilespmem:$0x5200]  }
0x8b: {  	v19 =	vld [tilespmem:$0x5190]  }
0x8c: {  	v21 =	vld [tilespmem:$0x51A0]  }
0x8d: {  	v22 =	vld [tilespmem:$0x5220]  }
0x8e: {  	v23 =	vld [tilespmem:$0x51B0]  }
0x8f: {  	v20 =	vld [tilespmem:$0x5210]  }
0x90: {  	v25 =	vld [tilespmem:$0x51C0];
	v4 =	vmul.u32 $0x6, v4  }
0x91: {  	v24 =	vld [tilespmem:$0x5230];
	v5 =	vadd.s32 v0, v5  }
0x92: {  	v26 =	vld [tilespmem:$0x5240];
	v6 =	vmul.u32 $0x6, v19;
	v27 =	vmul.u32 $0x6, v21;
	v4 =	vadd.s32 v4, v5  }
0x93: {  	v9 =	vadd.s32 v0, v22;
	v31 =	vmul.u32 $0x6, v23;
	v28 =	vshll.u32 v4, $0x1  }
0x94: {  	v5 =	vadd.s32 v0, v20;
	v29 =	vand.u32 $0x7, v4;
	v8 =	vand.u32 $0xFFFFFFF0, v28  }
0x95: {  	v32 =	vmul.u32 $0x6, v25;
	v5 =	vadd.s32 v6, v5;
	[tilespmem:$0x5280] =	vst v4;
	v30 =	vor.u32 v29, v8  }
0x96: {  	v4 =	vadd.s32 v27, v9;
	[tilespmem:$0x5290] =	vst v5;
	v5 =	vadd.s32 v0, v24;
	v33 =	vperm.xlane v30, v1  }
0x97: {  	[tilespmem:$0x52A0] =	vst v4;
	v4 =	vadd.s32 v31, v5;
	v5 =	vadd.s32 v0, v26  }
0x98: {  	[tilespmem:$0x52B0] =	vst v4;
	v4 =	vadd.s32 v32, v5;
	v6 =	vperm.xlane v30, v3;
	v5 =	vadd.s32 v2, v33  }
0x99: {  	s0 =	simm.s32 @!p0 $0x5;
	[tilespmem:$0x52C0] =	vst v4  }
0x9a: {  	_ =	swait.ge @!p0 [sflag:s0], $0x5000;
	v4 =	vadd.s32 v2, v6  }
0x9b: {  	[sflag:s0] =	ssyncset.done @!p0 $0x0  }
0x9c: {  	[sflag:s0] =	ssyncadd.s32 @!p0 $0xFFFFB000  }
0x9d: {  	[tilespmem:s11], [sflag:$0x6] =	stream.indirect_vreg.gather [hbm4b:s5+s2], $0x80, v5, vm0, $0xb8;
	[tilespmem:$0x14600] =	vst v63  }
0x9e: {  	s1 =	simm.s32 $0x5B00  }
0x9f: {  	[tilespmem:s1], [sflag:$0x6] =	stream.indirect_vreg.gather [hbm4b:s5+s2], $0x80, v4, vm0, $0xb8;
	[tilespmem:$0x14600] =	vst v63  }
0xa0: {  	v4 =	vld [tilespmem:$0x5290];
	_ =	sdelay $0x4  }
0xa1: {  	v5 =	vshll.u32 v4, $0x1  }
0xa2: {  	v4 =	vand.u32 $0x7, v4;
	v5 =	vand.u32 $0xFFFFFFF0, v5  }
0xa3: {  	v4 =	vor.u32 v4, v5  }
0xa4: {  	v5 =	vperm.xlane v4, v1;
	_ =	sdelay $0x1  }
0xa5: {  	v4 =	vperm.xlane v4, v3;
	v5 =	vadd.s32 v2, v5;
	_ =	sdelay $0x1  }
0xa6: {  	v4 =	vadd.s32 v2, v4;
	_ =	sdelay $0x1  }
0xa7: {  	s1 =	simm.s32 $0x6300  }
0xa8: {  	[tilespmem:s1], [sflag:$0x6] =	stream.indirect_vreg.gather [hbm4b:s5+s2], $0x80, v5, vm0, $0xb8;
	[tilespmem:$0x14600] =	vst v63  }
0xa9: {  	s1 =	simm.s32 $0x6B00  }
0xaa: {  	[tilespmem:s1], [sflag:$0x6] =	stream.indirect_vreg.gather [hbm4b:s5+s2], $0x80, v4, vm0, $0xb8;
	[tilespmem:$0x14600] =	vst v63  }
0xab: {  	v4 =	vld [tilespmem:$0x52A0];
	_ =	sdelay $0x4  }
0xac: {  	v5 =	vshll.u32 v4, $0x1  }
0xad: {  	v4 =	vand.u32 $0x7, v4;
	v5 =	vand.u32 $0xFFFFFFF0, v5  }
0xae: {  	v4 =	vor.u32 v4, v5  }
0xaf: {  	v5 =	vperm.xlane v4, v1;
	_ =	sdelay $0x1  }
0xb0: {  	v4 =	vperm.xlane v4, v3;
	v5 =	vadd.s32 v2, v5;
	_ =	sdelay $0x1  }
0xb1: {  	v4 =	vadd.s32 v2, v4;
	_ =	sdelay $0x1  }
0xb2: {  	s1 =	simm.s32 $0x7300  }
0xb3: {  	[tilespmem:s1], [sflag:$0x6] =	stream.indirect_vreg.gather [hbm4b:s5+s2], $0x80, v5, vm0, $0xb8;
	[tilespmem:$0x14600] =	vst v63  }
0xb4: {  	s1 =	simm.s32 $0x7B00  }
0xb5: {  	[tilespmem:s1], [sflag:$0x6] =	stream.indirect_vreg.gather [hbm4b:s5+s2], $0x80, v4, vm0, $0xb8;
	[tilespmem:$0x14600] =	vst v63  }
0xb6: {  	v4 =	vld [tilespmem:$0x52B0];
	_ =	sdelay $0x4  }
0xb7: {  	v5 =	vshll.u32 v4, $0x1  }
0xb8: {  	v4 =	vand.u32 $0x7, v4;
	v5 =	vand.u32 $0xFFFFFFF0, v5  }
0xb9: {  	v4 =	vor.u32 v4, v5  }
0xba: {  	v5 =	vperm.xlane v4, v1;
	_ =	sdelay $0x1  }
0xbb: {  	v4 =	vperm.xlane v4, v3;
	v5 =	vadd.s32 v2, v5;
	_ =	sdelay $0x1  }
0xbc: {  	v4 =	vadd.s32 v2, v4;
	_ =	sdelay $0x1  }
0xbd: {  	s1 =	simm.s32 $0x8300  }
0xbe: {  	[tilespmem:s1], [sflag:$0x6] =	stream.indirect_vreg.gather [hbm4b:s5+s2], $0x80, v5, vm0, $0xb8;
	[tilespmem:$0x14600] =	vst v63  }
0xbf: {  	s1 =	simm.s32 $0x8B00  }
0xc0: {  	[tilespmem:s1], [sflag:$0x6] =	stream.indirect_vreg.gather [hbm4b:s5+s2], $0x80, v4, vm0, $0xb8;
	[tilespmem:$0x14600] =	vst v63  }
0xc1: {  	v4 =	vld [tilespmem:$0x52C0];
	_ =	sdelay $0x4  }
0xc2: {  	v5 =	vshll.u32 v4, $0x1  }
0xc3: {  	v4 =	vand.u32 $0x7, v4;
	v5 =	vand.u32 $0xFFFFFFF0, v5  }
0xc4: {  	v4 =	vor.u32 v4, v5  }
0xc5: {  	v5 =	vperm.xlane v4, v1;
	_ =	sdelay $0x1  }
0xc6: {  	v4 =	vperm.xlane v4, v3;
	v5 =	vadd.s32 v2, v5;
	_ =	sdelay $0x1  }
0xc7: {  	v4 =	vadd.s32 v2, v4;
	_ =	sdelay $0x1  }
0xc8: {  	s1 =	simm.s32 $0x9300  }
0xc9: {  	[tilespmem:s1], [sflag:$0x6] =	stream.indirect_vreg.gather [hbm4b:s5+s2], $0x80, v5, vm0, $0xb8;
	[tilespmem:$0x14600] =	vst v63  }
0xca: {  	s1 =	simm.s32 $0x9B00  }
0xcb: {  	[tilespmem:s1], [sflag:$0x6] =	stream.indirect_vreg.gather [hbm4b:s5+s2], $0x80, v4, vm0, $0xb8;
	[tilespmem:$0x14600] =	vst v63  }
0xcc: {  	s0 =	sadd.s32 @!p1 s25, s24;
	s1 =	simm.s32 @!p1 $0x5180  }
0xcd: {  	[tilespmem:s1], [sflag:$0x4] =	stream.linear.gather @!p1 [hbm4b:s0+s29], $0x50, $0x38;
	[tilespmem:$0x14600] =	vst v63  }
0xce: {  	s0 =	sadd.s32 @!p1 s25, s23;
	s1 =	simm.s32 @!p1 $0x5200  }
0xcf: {  	[tilespmem:s1], [sflag:$0x4] =	stream.linear.gather @!p1 [hbm4b:s0+s29], $0x50, $0x38;
	[tilespmem:$0x14600] =	vst v63  }
0xd0: {  	_ =	swait.ge @p2 [sflag:s13], $0x5000  }
0xd1: {  	[sflag:s13] =	ssyncset.done @p2 $0x0  }
0xd2: {  	s0 =	sadd.s32 @p2 $0xA00, s20;
	[sflag:s13] =	ssyncadd.s32 @p2 $0xFFFFB000  }
0xd3: {  	[hbm4b:s0+s2] =	stream.linear.scatter @p2 [tilespmem:s31], [sflag:$0x8], $0x5000, $0x38;
	[tilespmem:$0x14600] =	vst v63  }
0xd4: {  	_ =	swait.ge [sflag:s30], $0x50  }
0xd5: {  	[sflag:s30] =	ssyncset.done $0x0  }
0xd6: {  	[sflag:s30] =	ssyncadd.s32 $0xFFFFFFB0  }
0xd7: {  	_ =	swait.ge [sflag:s30], $0x50  }
0xd8: {  	[sflag:s30] =	ssyncset.done $0x0  }
0xd9: {  	[sflag:s30] =	ssyncadd.s32 $0xFFFFFFB0  }
0xda: {  	v4 =	vld [tilespmem:$0xA300]  }
0xdb: {  	v5 =	vld [tilespmem:$0xA380]  }
0xdc: {  	v34 =	vld [tilespmem:$0xA310]  }
0xdd: {  	v36 =	vld [tilespmem:$0xA320]  }
0xde: {  	v37 =	vld [tilespmem:$0xA3A0]  }
0xdf: {  	v38 =	vld [tilespmem:$0xA330]  }
0xe0: {  	v35 =	vld [tilespmem:$0xA390]  }
0xe1: {  	v40 =	vld [tilespmem:$0xA340];
	v4 =	vmul.u32 $0x6, v4  }
0xe2: {  	v39 =	vld [tilespmem:$0xA3B0];
	v5 =	vadd.s32 v0, v5  }
0xe3: {  	v41 =	vld [tilespmem:$0xA3C0];
	v6 =	vmul.u32 $0x6, v34;
	v42 =	vmul.u32 $0x6, v36;
	v4 =	vadd.s32 v4, v5  }
0xe4: {  	v9 =	vadd.s32 v0, v37;
	v46 =	vmul.u32 $0x6, v38;
	v43 =	vshll.u32 v4, $0x1  }
0xe5: {  	v5 =	vadd.s32 v0, v35;
	v44 =	vand.u32 $0x7, v4;
	v8 =	vand.u32 $0xFFFFFFF0, v43  }
0xe6: {  	v47 =	vmul.u32 $0x6, v40;
	v5 =	vadd.s32 v6, v5;
	[tilespmem:$0xA400] =	vst v4;
	v45 =	vor.u32 v44, v8  }
0xe7: {  	v4 =	vadd.s32 v42, v9;
	[tilespmem:$0xA410] =	vst v5;
	v5 =	vadd.s32 v0, v39;
	v48 =	vperm.xlane v45, v1  }
0xe8: {  	[tilespmem:$0xA420] =	vst v4;
	v4 =	vadd.s32 v46, v5;
	v5 =	vadd.s32 v0, v41  }
0xe9: {  	[tilespmem:$0xA430] =	vst v4;
	v4 =	vadd.s32 v47, v5;
	v6 =	vperm.xlane v45, v3;
	v5 =	vadd.s32 v2, v48  }
0xea: {  	s0 =	simm.s32 @!p0 $0x8;
	[tilespmem:$0xA440] =	vst v4  }
0xeb: {  	_ =	swait.ge @!p0 [sflag:s0], $0x5000;
	v4 =	vadd.s32 v2, v6  }
0xec: {  	[sflag:s0] =	ssyncset.done @!p0 $0x0  }
0xed: {  	[sflag:s0] =	ssyncadd.s32 @!p0 $0xFFFFB000  }
0xee: {  	[tilespmem:s31], [sflag:$0x9] =	stream.indirect_vreg.gather [hbm4b:s5+s2], $0x80, v5, vm0, $0xb8;
	[tilespmem:$0x14600] =	vst v63  }
0xef: {  	s29 =	simm.s32 $0xAC80  }
0xf0: {  	[tilespmem:s29], [sflag:$0x9] =	stream.indirect_vreg.gather [hbm4b:s5+s2], $0x80, v4, vm0, $0xb8;
	[tilespmem:$0x14600] =	vst v63  }
0xf1: {  	v4 =	vld [tilespmem:$0xA410];
	_ =	sdelay $0x4  }
0xf2: {  	v5 =	vshll.u32 v4, $0x1  }
0xf3: {  	v4 =	vand.u32 $0x7, v4;
	v5 =	vand.u32 $0xFFFFFFF0, v5  }
0xf4: {  	v4 =	vor.u32 v4, v5  }
0xf5: {  	v5 =	vperm.xlane v4, v1;
	_ =	sdelay $0x1  }
0xf6: {  	v4 =	vperm.xlane v4, v3;
	v5 =	vadd.s32 v2, v5;
	_ =	sdelay $0x1  }
0xf7: {  	v4 =	vadd.s32 v2, v4;
	_ =	sdelay $0x1  }
0xf8: {  	s1 =	simm.s32 $0xB480  }
0xf9: {  	[tilespmem:s1], [sflag:$0x9] =	stream.indirect_vreg.gather [hbm4b:s5+s2], $0x80, v5, vm0, $0xb8;
	[tilespmem:$0x14600] =	vst v63  }
0xfa: {  	s29 =	simm.s32 $0xBC80  }
0xfb: {  	[tilespmem:s29], [sflag:$0x9] =	stream.indirect_vreg.gather [hbm4b:s5+s2], $0x80, v4, vm0, $0xb8;
	[tilespmem:$0x14600] =	vst v63  }
0xfc: {  	v4 =	vld [tilespmem:$0xA420];
	_ =	sdelay $0x4  }
0xfd: {  	v5 =	vshll.u32 v4, $0x1  }
0xfe: {  	v4 =	vand.u32 $0x7, v4;
	v5 =	vand.u32 $0xFFFFFFF0, v5  }
0xff: {  	v4 =	vor.u32 v4, v5  }
0x100: {  	v5 =	vperm.xlane v4, v1;
	_ =	sdelay $0x1  }
0x101: {  	v4 =	vperm.xlane v4, v3;
	v5 =	vadd.s32 v2, v5;
	_ =	sdelay $0x1  }
0x102: {  	v4 =	vadd.s32 v2, v4;
	_ =	sdelay $0x1  }
0x103: {  	s1 =	simm.s32 $0xC480  }
0x104: {  	[tilespmem:s1], [sflag:$0x9] =	stream.indirect_vreg.gather [hbm4b:s5+s2], $0x80, v5, vm0, $0xb8;
	[tilespmem:$0x14600] =	vst v63  }
0x105: {  	s29 =	simm.s32 $0xCC80  }
0x106: {  	[tilespmem:s29], [sflag:$0x9] =	stream.indirect_vreg.gather [hbm4b:s5+s2], $0x80, v4, vm0, $0xb8;
	[tilespmem:$0x14600] =	vst v63  }
0x107: {  	v4 =	vld [tilespmem:$0xA430];
	_ =	sdelay $0x4  }
0x108: {  	v5 =	vshll.u32 v4, $0x1  }
0x109: {  	v4 =	vand.u32 $0x7, v4;
	v5 =	vand.u32 $0xFFFFFFF0, v5  }
0x10a: {  	v4 =	vor.u32 v4, v5  }
0x10b: {  	v5 =	vperm.xlane v4, v1;
	_ =	sdelay $0x1  }
0x10c: {  	v4 =	vperm.xlane v4, v3;
	v5 =	vadd.s32 v2, v5;
	_ =	sdelay $0x1  }
0x10d: {  	v4 =	vadd.s32 v2, v4;
	_ =	sdelay $0x1  }
0x10e: {  	s1 =	simm.s32 $0xD480  }
0x10f: {  	[tilespmem:s1], [sflag:$0x9] =	stream.indirect_vreg.gather [hbm4b:s5+s2], $0x80, v5, vm0, $0xb8;
	[tilespmem:$0x14600] =	vst v63  }
0x110: {  	s29 =	simm.s32 $0xDC80  }
0x111: {  	[tilespmem:s29], [sflag:$0x9] =	stream.indirect_vreg.gather [hbm4b:s5+s2], $0x80, v4, vm0, $0xb8;
	[tilespmem:$0x14600] =	vst v63  }
0x112: {  	v4 =	vld [tilespmem:$0xA440];
	_ =	sdelay $0x4  }
0x113: {  	v5 =	vshll.u32 v4, $0x1  }
0x114: {  	v4 =	vand.u32 $0x7, v4;
	v5 =	vand.u32 $0xFFFFFFF0, v5  }
0x115: {  	v4 =	vor.u32 v4, v5  }
0x116: {  	v5 =	vperm.xlane v4, v1;
	_ =	sdelay $0x1  }
0x117: {  	v4 =	vperm.xlane v4, v3;
	v5 =	vadd.s32 v2, v5;
	_ =	sdelay $0x1  }
0x118: {  	v4 =	vadd.s32 v2, v4;
	_ =	sdelay $0x1  }
0x119: {  	s1 =	simm.s32 $0xE480  }
0x11a: {  	[tilespmem:s1], [sflag:$0x9] =	stream.indirect_vreg.gather [hbm4b:s5+s2], $0x80, v5, vm0, $0xb8;
	[tilespmem:$0x14600] =	vst v63  }
0x11b: {  	s29 =	simm.s32 $0xEC80  }
0x11c: {  	[tilespmem:s29], [sflag:$0x9] =	stream.indirect_vreg.gather [hbm4b:s5+s2], $0x80, v4, vm0, $0xb8;
	[tilespmem:$0x14600] =	vst v63  }
0x11d: {  	s0 =	sadd.s32 @!p1 s25, s22;
	s1 =	simm.s32 @!p1 $0xA300;
	s29 =	simm.s32 @!p1 $0x0  }
0x11e: {  	[tilespmem:s1], [sflag:$0x7] =	stream.linear.gather @!p1 [hbm4b:s0+s29], $0x50, $0x38;
	[tilespmem:$0x14600] =	vst v63  }
0x11f: {  	s0 =	sadd.s32 @!p1 s25, s21;
	s1 =	simm.s32 @!p1 $0xA380  }
0x120: {  	[tilespmem:s1], [sflag:$0x7] =	stream.linear.gather @!p1 [hbm4b:s0+s29], $0x50, $0x38;
	[tilespmem:$0x14600] =	vst v63  }
0x121: {  	_ =	swait.ge @p2 [sflag:s14], $0x5000  }
0x122: {  	[sflag:s14] =	ssyncset.done @p2 $0x0  }
0x123: {  	s0 =	sadd.s32 @p2 $0x1400, s20;
	[sflag:s14] =	ssyncadd.s32 @p2 $0xFFFFB000  }
0x124: {  	[hbm4b:s0+s2] =	stream.linear.scatter @p2 [tilespmem:s16], [sflag:$0xB], $0x5000, $0x38;
	[tilespmem:$0x14600] =	vst v63  }
0x125: {  	_ =	swait.ge [sflag:s15], $0x50  }
0x126: {  	[sflag:s15] =	ssyncset.done $0x0  }
0x127: {  	[sflag:s15] =	ssyncadd.s32 $0xFFFFFFB0  }
0x128: {  	_ =	swait.ge [sflag:s15], $0x50  }
0x129: {  	[sflag:s15] =	ssyncset.done $0x0  }
0x12a: {  	[sflag:s15] =	ssyncadd.s32 $0xFFFFFFB0  }
0x12b: {  	v4 =	vld [tilespmem:$0xF480]  }
0x12c: {  	v5 =	vld [tilespmem:$0xF500]  }
0x12d: {  	v49 =	vld [tilespmem:$0xF490]  }
0x12e: {  	v51 =	vld [tilespmem:$0xF4A0]  }
0x12f: {  	v52 =	vld [tilespmem:$0xF520]  }
0x130: {  	v53 =	vld [tilespmem:$0xF4B0]  }
0x131: {  	v50 =	vld [tilespmem:$0xF510]  }
0x132: {  	v55 =	vld [tilespmem:$0xF4C0];
	v4 =	vmul.u32 $0x6, v4  }
0x133: {  	v54 =	vld [tilespmem:$0xF530];
	v5 =	vadd.s32 v0, v5  }
0x134: {  	v56 =	vld [tilespmem:$0xF540];
	v6 =	vmul.u32 $0x6, v49;
	v57 =	vmul.u32 $0x6, v51;
	v4 =	vadd.s32 v4, v5  }
0x135: {  	v9 =	vadd.s32 v0, v52;
	v61 =	vmul.u32 $0x6, v53;
	v58 =	vshll.u32 v4, $0x1  }
0x136: {  	v5 =	vadd.s32 v0, v50;
	v59 =	vand.u32 $0x7, v4;
	v8 =	vand.u32 $0xFFFFFFF0, v58  }
0x137: {  	v62 =	vmul.u32 $0x6, v55;
	v5 =	vadd.s32 v6, v5;
	[tilespmem:$0xF580] =	vst v4;
	v60 =	vor.u32 v59, v8  }
0x138: {  	v4 =	vadd.s32 v57, v9;
	[tilespmem:$0xF590] =	vst v5;
	v5 =	vadd.s32 v0, v54;
	v63 =	vperm.xlane v60, v1  }
0x139: {  	[tilespmem:$0xF5A0] =	vst v4;
	v4 =	vadd.s32 v61, v5;
	v5 =	vadd.s32 v0, v56  }
0x13a: {  	[tilespmem:$0xF5B0] =	vst v4;
	v4 =	vadd.s32 v62, v5;
	v6 =	vperm.xlane v60, v3;
	v5 =	vadd.s32 v2, v63  }
0x13b: {  	s0 =	simm.s32 @!p0 $0xB;
	[tilespmem:$0xF5C0] =	vst v4  }
0x13c: {  	_ =	swait.ge @!p0 [sflag:s0], $0x5000;
	v4 =	vadd.s32 v2, v6  }
0x13d: {  	[sflag:s0] =	ssyncset.done @!p0 $0x0  }
0x13e: {  	[sflag:s0] =	ssyncadd.s32 @!p0 $0xFFFFB000  }
0x13f: {  	[tilespmem:s16], [sflag:$0xC] =	stream.indirect_vreg.gather [hbm4b:s5+s2], $0x80, v5, vm0, $0xb8;
	[tilespmem:$0x14600] =	vst v63  }
0x140: {  	s1 =	simm.s32 $0xFE00  }
0x141: {  	[tilespmem:s1], [sflag:$0xC] =	stream.indirect_vreg.gather [hbm4b:s5+s2], $0x80, v4, vm0, $0xb8;
	[tilespmem:$0x14600] =	vst v63  }
0x142: {  	v4 =	vld [tilespmem:$0xF590];
	_ =	sdelay $0x4  }
0x143: {  	v5 =	vshll.u32 v4, $0x1  }
0x144: {  	v4 =	vand.u32 $0x7, v4;
	v5 =	vand.u32 $0xFFFFFFF0, v5  }
0x145: {  	v4 =	vor.u32 v4, v5  }
0x146: {  	v5 =	vperm.xlane v4, v1;
	_ =	sdelay $0x1  }
0x147: {  	v4 =	vperm.xlane v4, v3;
	v5 =	vadd.s32 v2, v5;
	_ =	sdelay $0x1  }
0x148: {  	v4 =	vadd.s32 v2, v4;
	_ =	sdelay $0x1  }
0x149: {  	s1 =	simm.s32 $0x10600  }
0x14a: {  	[tilespmem:s1], [sflag:$0xC] =	stream.indirect_vreg.gather [hbm4b:s5+s2], $0x80, v5, vm0, $0xb8;
	[tilespmem:$0x14600] =	vst v63  }
0x14b: {  	s1 =	simm.s32 $0x10E00  }
0x14c: {  	[tilespmem:s1], [sflag:$0xC] =	stream.indirect_vreg.gather [hbm4b:s5+s2], $0x80, v4, vm0, $0xb8;
	[tilespmem:$0x14600] =	vst v63  }
0x14d: {  	v4 =	vld [tilespmem:$0xF5A0];
	_ =	sdelay $0x4  }
0x14e: {  	v5 =	vshll.u32 v4, $0x1  }
0x14f: {  	v4 =	vand.u32 $0x7, v4;
	v5 =	vand.u32 $0xFFFFFFF0, v5  }
0x150: {  	v4 =	vor.u32 v4, v5  }
0x151: {  	v5 =	vperm.xlane v4, v1;
	_ =	sdelay $0x1  }
0x152: {  	v4 =	vperm.xlane v4, v3;
	v5 =	vadd.s32 v2, v5;
	_ =	sdelay $0x1  }
0x153: {  	v4 =	vadd.s32 v2, v4;
	_ =	sdelay $0x1  }
0x154: {  	s1 =	simm.s32 $0x11600  }
0x155: {  	[tilespmem:s1], [sflag:$0xC] =	stream.indirect_vreg.gather [hbm4b:s5+s2], $0x80, v5, vm0, $0xb8;
	[tilespmem:$0x14600] =	vst v63  }
0x156: {  	s1 =	simm.s32 $0x11E00  }
0x157: {  	[tilespmem:s1], [sflag:$0xC] =	stream.indirect_vreg.gather [hbm4b:s5+s2], $0x80, v4, vm0, $0xb8;
	[tilespmem:$0x14600] =	vst v63  }
0x158: {  	v4 =	vld [tilespmem:$0xF5B0];
	_ =	sdelay $0x4  }
0x159: {  	v5 =	vshll.u32 v4, $0x1  }
0x15a: {  	v4 =	vand.u32 $0x7, v4;
	v5 =	vand.u32 $0xFFFFFFF0, v5  }
0x15b: {  	v4 =	vor.u32 v4, v5  }
0x15c: {  	v5 =	vperm.xlane v4, v1;
	_ =	sdelay $0x1  }
0x15d: {  	v4 =	vperm.xlane v4, v3;
	v5 =	vadd.s32 v2, v5;
	_ =	sdelay $0x1  }
0x15e: {  	v4 =	vadd.s32 v2, v4;
	_ =	sdelay $0x1  }
0x15f: {  	s1 =	simm.s32 $0x12600  }
0x160: {  	[tilespmem:s1], [sflag:$0xC] =	stream.indirect_vreg.gather [hbm4b:s5+s2], $0x80, v5, vm0, $0xb8;
	[tilespmem:$0x14600] =	vst v63  }
0x161: {  	_ = 	snop  }
0x162: {  	[tilespmem:s6], [sflag:$0xC] =	stream.indirect_vreg.gather [hbm4b:s5+s2], $0x80, v4, vm0, $0xb8;
	[tilespmem:$0x14600] =	vst v63  }
0x163: {  	v4 =	vld [tilespmem:$0xF5C0];
	_ =	sdelay $0x4  }
0x164: {  	v5 =	vshll.u32 v4, $0x1  }
0x165: {  	v4 =	vand.u32 $0x7, v4;
	v5 =	vand.u32 $0xFFFFFFF0, v5  }
0x166: {  	v4 =	vor.u32 v4, v5  }
0x167: {  	v5 =	vperm.xlane v4, v1;
	_ =	sdelay $0x1  }
0x168: {  	v4 =	vperm.xlane v4, v3;
	v5 =	vadd.s32 v2, v5;
	_ =	sdelay $0x1  }
0x169: {  	v4 =	vadd.s32 v2, v4;
	_ =	sdelay $0x2  }
0x16a: {  	[tilespmem:s7], [sflag:$0xC] =	stream.indirect_vreg.gather [hbm4b:s5+s2], $0x80, v5, vm0, $0xb8;
	[tilespmem:$0x14600] =	vst v63  }
0x16b: {  	_ = 	snop  }
0x16c: {  	[tilespmem:s8], [sflag:$0xC] =	stream.indirect_vreg.gather [hbm4b:s5+s2], $0x80, v4, vm0, $0xb8;
	[tilespmem:$0x14600] =	vst v63  }
0x16d: {  	s0 =	sadd.s32 @!p1 s25, s19;
	s1 =	simm.s32 @!p1 $0xF480  }
0x16e: {  	[tilespmem:s1], [sflag:$0xA] =	stream.linear.gather @!p1 [hbm4b:s0+s29], $0x50, $0x38;
	[tilespmem:$0x14600] =	vst v63  }
0x16f: {  	s0 =	sadd.s32 @!p1 s25, s18;
	s25 =	sadd.s32 $0x28, s25  }
0x170: {  	s1 =	simm.s32 @!p1 $0xF500;
	p0 =	sne.s32 s25, $0xF0  }
0x171: {  	[tilespmem:s1], [sflag:$0xA] =	stream.linear.gather @!p1 [hbm4b:s0+s29], $0x50, $0x38;
	[tilespmem:$0x14600] =	vst v63  }
.Ltmp0:
0x172: {  	_ = 	snop;
	(pc) =	sbr.rel @p0 .LBB2_2-.Ltmp0, $4  }
0x173: {  	_ =	swait.ge [sflag:s9], $0x5000  }
0x174: {  	s17 =	sadd.s32 $0x140, s17;
	[sflag:s9] =	ssyncset.done $0x0  }
0x175: {  	s29 =	sadd.s32 $0x1E00, s20;
	s20 =	sadd.s32 $0x2800, s20;
	[sflag:s9] =	ssyncadd.s32 $0xFFFFB000  }
0x176: {  	[hbm4b:s29+s2] =	stream.linear.scatter [tilespmem:s28], [sflag:$0x2], $0x5000, $0x38;
	[tilespmem:$0x14600] =	vst v63  }
0x177: {  	_ =	swait.ge [sflag:s12], $0x5000  }
0x178: {  	[sflag:s12] =	ssyncset.done $0x0  }
0x179: {  	s0 =	rddreg [dreg:$0xb];
	[sflag:s12] =	ssyncadd.s32 $0xFFFFB000  }
0x17a: {  	[hbm4b:s0+s2] =	stream.linear.scatter [tilespmem:s11], [sflag:$0x5], $0x5000, $0x38;
	[tilespmem:$0x14600] =	vst v63  }
0x17b: {  	_ =	swait.ge [sflag:s13], $0x5000  }
0x17c: {  	[sflag:s13] =	ssyncset.done $0x0  }
0x17d: {  	s29 =	rddreg [dreg:$0xc];
	[sflag:s13] =	ssyncadd.s32 $0xFFFFB000  }
0x17e: {  	[hbm4b:s29+s2] =	stream.linear.scatter [tilespmem:s31], [sflag:$0x8], $0x5000, $0x38;
	[tilespmem:$0x14600] =	vst v63  }
0x17f: {  	_ =	swait.ge [sflag:s14], $0x5000  }
0x180: {  	[sflag:s14] =	ssyncset.done $0x0  }
0x181: {  	s17 =	simm.s32 $0x2;
	s1 =	rddreg [dreg:$0xd];
	[sflag:s14] =	ssyncadd.s32 $0xFFFFB000  }
0x182: {  	[hbm4b:s1+s2] =	stream.linear.scatter [tilespmem:s16], [sflag:$0xB], $0x5000, $0x38;
	[tilespmem:$0x14600] =	vst v63  }
0x183: {  	_ =	swait.ge [sflag:s17], $0x5000  }
0x184: {  	[sflag:s17] =	ssyncset.done $0x0  }
0x185: {  	s20 =	simm.s32 $0x5;
	[sflag:s17] =	ssyncadd.s32 $0xFFFFB000  }
0x186: {  	_ =	swait.ge [sflag:s20], $0x5000  }
0x187: {  	[sflag:s20] =	ssyncset.done $0x0  }
0x188: {  	s25 =	simm.s32 $0x8;
	[sflag:s20] =	ssyncadd.s32 $0xFFFFB000  }
0x189: {  	_ =	swait.ge [sflag:s25], $0x5000  }
0x18a: {  	[sflag:s25] =	ssyncset.done $0x0  }
0x18b: {  	s1 =	simm.s32 $0xB;
	[sflag:s25] =	ssyncadd.s32 $0xFFFFB000  }
0x18c: {  	_ =	swait.ge [sflag:s1], $0x5000  }
0x18d: {  	s17 =	rddreg [dreg:$0x11]  }
0x18e: {  	s29 =	rddreg [dreg:$0xe];
	s17 =	sadd.s32 $0x1, s17  }
0x18f: {  	p0 =	sne.s32 s17, s29  }
.Ltmp1:
0x190: {  	_ = 	snop;
	(pc) =	sbr.rel @p0 .LBB2_1-.Ltmp1, $3  }
0x191: {  	_ =	sdelay $0x1  }
0x192: {  	[sflag:s1] =	ssyncset.done $0x0  }
0x193: {  	[sflag:s1] =	ssyncadd.s32 $0xFFFFB000  }
0x194: {  	_ =	sfence.sel $0x180000  }
0x195: {  	[bflag:$0x0] =	sbarrier.arrive $0xFFFF  }
0x196: {  	_ =	strace $0x90000047  }
0x197: {  	s0 =	stileid.u32;
	[bflag:$0x2] =	sbarrier.arrive $0xFFFF  }
0x198: {  	p0 =	sne.s32 s0, $0x0;
	s0 =	rddreg [dreg:$0x2]  }
0x199: {  	s0 =	sadd.s32 @!p0 $0x100000, s0  }
0x19a: {  	[sflag:s0] =	ssyncadd.tile.s32 @!p0 $0x1;
	_ =	shalt  }
.Lfunc_end2:
_tile_overlayer_lowered:
.L_overlay_start_2:
0x19b: {  	(tag) =	ssettag $0x2  }
0x19c: {  	s0 =	rddreg [dreg:$0x0];
	s2 =	stileid.u32  }
0x19d: {  	s1 =	rddreg [dreg:$0x1];
	p0 =	sne.s32 s2, $0x0  }
0x19e: {  	s3 =	rddreg [dreg:$0x2];
	[bflag:$0x3] =	sbarrier.arrive $0xFFFF;
	s2 =	simm.s32 @!p0 $0x1C0D  }
0x19f: {  	[timem:s3], [sflag:s2] =	dma.local @!p0 [hbm:s0], s1  }
0x1a0: {  	s0 =	simm.s32 @!p0 $0xD  }
0x1a1: {  	_ =	swait.ge @!p0 [sflag:s0], s1  }
0x1a2: {  	s1 =	ssub.s32 @!p0 $0x0, s1;
	[sflag:s0] =	ssyncset.done @!p0 $0x0  }
0x1a3: {  	[sflag:s0] =	ssyncadd.s32 @!p0 s1  }
0x1a4: {  	[bflag:$0x3] =	sbarrier.arrive $0xFFFF  }
0x1a5: {  	_ =	shalt  }

</sc_bundles>
